<compile_context>
chip_gen: v7x
topology: tpu7x:2x2x1
jax: 0.10.2.dev20260603
libtpu: 0.0.44.dev20260713+nightly
codegen_flags: <defaults>
</compile_context>

<pallas_src>
import functools

import jax
import jax.numpy as jnp
from jax import lax
from jax.experimental import pallas as pl
from jax.experimental.pallas import tpu as pltpu
from jax.experimental.pallas import tpu_sc as plsc

N = 100000
D = 128
S = 64
NC = 2
NS = 16
NW = NC * NS
C = 80
NCHUNKS = N // C
WCH = NCHUNKS // NW
EXTRA = NCHUNKS - WCH * NW
KMAX = WCH + 1
NPAD = -(-N // D) * D

_f32 = jnp.float32


def _sc_body(x_hbm, batch_hbm, zsd_hbm, sums_hbm,
             buf0, buf1, buf2, buf3, idx0, idx1, idx2, idx3, ssum,
             sem0, sem1, sem2, sem3, ssem0, ssem1, ssem2, ssem3):
    cid = lax.axis_index("c")
    sid = lax.axis_index("s")
    wid = cid * NS + sid
    start = WCH * wid + jnp.minimum(wid, EXTRA)
    nch = WCH + jnp.where(wid < EXTRA, 1, 0)

    @pl.when(sid == 0)
    def _():
        pltpu.sync_copy(zsd_hbm, ssum)

    plsc.subcore_barrier()

    bufs = ((buf0, idx0, sem0, ssem0), (buf1, idx1, sem1, ssem1),
            (buf2, idx2, sem2, ssem2), (buf3, idx3, sem3, ssem3))

    def start_gather(c, b, i, s, _ss):
        off = pl.multiple_of(c * C, 8)
        pltpu.async_copy(batch_hbm.at[pl.ds(off, C)], i, s)
        pltpu.async_copy(x_hbm.at[pl.ds(off, C), :], b, s)

    def wait_gather(b, i, s, _ss):
        pltpu.make_async_copy(batch_hbm.at[pl.ds(0, C)], i, s).wait()
        pltpu.make_async_copy(x_hbm.at[pl.ds(0, C), :], b, s).wait()

    def drain_scatter(b, i, _s, ss):
        pltpu.make_async_copy(b, ssum.at[i], ss).wait()

    start_gather(start, *bufs[0])
    start_gather(start + 1, *bufs[1])

    def step(k, cur, pre):
        @pl.when((k >= 2) & (k + 2 < nch))
        def _():
            drain_scatter(*pre)

        @pl.when(k + 2 < nch)
        def _():
            start_gather(start + k + 2, *pre)

        @pl.when(k < nch)
        def _():
            b, i, s, ss = cur
            wait_gather(*cur)
            pltpu.async_copy(b, ssum.at[i], ss, add=True)

    def quad(p, carry):
        for j in range(4):
            k = 4 * p + j
            step(k, bufs[j], bufs[(j + 2) % 4])
        return carry
    lax.fori_loop(0, KMAX // 4, quad, 0)

    for j in range(4):
        drain_scatter(*bufs[j])

    plsc.subcore_barrier()

    @pl.when(sid == 0)
    def _():
        pltpu.sync_copy(ssum, sums_hbm.at[cid])


_sc_stage = functools.partial(
    pl.kernel,
    out_type=jax.ShapeDtypeStruct((NC, S, D), _f32),
    mesh=plsc.VectorSubcoreMesh(
        core_axis_name="c", subcore_axis_name="s",
        num_cores=NC, num_subcores=NS),
    scratch_types=(
        [pltpu.VMEM((C, D), _f32) for _ in range(4)]
        + [pltpu.VMEM((C,), jnp.int32) for _ in range(4)]
        + [pltpu.VMEM_SHARED((S, D), _f32)]
        + [pltpu.SemaphoreType.DMA for _ in range(8)]
    ),
)(_sc_body)


def _hist_body(b_ref, c_ref):
    bm = b_ref[...]
    counts = []
    for seg in range(S):
        counts.append(jnp.sum(jnp.where(bm == seg, 1.0, 0.0).astype(_f32)))
    c_ref[...] = jnp.stack(counts).reshape(S, 1)


def _combine_body(s_ref, c_ref, o_ref):
    o_ref[...] = (s_ref[0] + s_ref[1]) / c_ref[...]


def kernel(x, batch):
    batch = batch.astype(jnp.int32)
    zsd = jnp.zeros((S, D), _f32)
    bm = jnp.concatenate(
        [batch, jnp.full((NPAD - N,), S, jnp.int32)]).reshape(NPAD // D, D)
    counts = pl.pallas_call(
        _hist_body,
        out_shape=jax.ShapeDtypeStruct((S, 1), _f32),
    )(bm)
    sums = _sc_stage(x, batch, zsd)
    return pl.pallas_call(
        _combine_body,
        out_shape=jax.ShapeDtypeStruct((S, D), _f32),
    )(sums, counts)

# --- scband reference (transcript-rebuilt; emitter-appended) ---
"""Pipeline reference for scband-mean-pooling-34815004901952 (READ-ONLY COPY).

The authoritative reference and input builder live on the scoring server;
editing this copy changes nothing except your own understanding.
"""

import jax, jax.numpy as jnp
import numpy as np

NUM_GRAPHS = 64

def setup_inputs(seed: int = 0) -> dict:
    key = jax.random.key(seed)
    k1, k2 = jax.random.split(key)
    x = jax.random.normal(k1, (100000, 128), dtype=jnp.float32)
    batch = jnp.sort(jax.random.randint(k2, (100000,), 0, NUM_GRAPHS).astype(jnp.int64))
    return {"x": x, "batch": batch}

def reference(x, batch):
    # Mean pooling per graph: h_graph[b] = mean_{i: batch[i]==b} x[i]
    sums = jax.ops.segment_sum(x, batch, num_segments=NUM_GRAPHS)
    counts = jax.ops.segment_sum(jnp.ones((x.shape[0],), dtype=x.dtype), batch, num_segments=NUM_GRAPHS)
    graph_embeddings = sums / counts[:, None]
    return graph_embeddings

if __name__ == "__main__":
    import jax
    _d = setup_inputs()
    print(jax.jit(kernel)(*tuple(_d.values())))

</pallas_src>

<mosaic_0001>
#map = affine_map<(d0, d1) -> (0, 0)>
#map1 = affine_map<(d0, d1) -> (0)>
#map2 = affine_map<(d0, d1) -> (0, 0, 0)>
module attributes {stable_mosaic.version = 14 : i64} {
  func.func @_sc_body(%arg0: i32, %arg1: i32, %arg2: memref<100000x128xf32, #tpu.memory_space<hbm>>, %arg3: memref<100000xi32, #tpu.memory_space<hbm>>, %arg4: memref<64x128xf32, #tpu.memory_space<hbm>>, %arg5: memref<2x64x128xf32, #tpu.memory_space<hbm>>, %arg6: memref<80x128xf32, #tpu.memory_space<vmem>>, %arg7: memref<80x128xf32, #tpu.memory_space<vmem>>, %arg8: memref<80x128xf32, #tpu.memory_space<vmem>>, %arg9: memref<80x128xf32, #tpu.memory_space<vmem>>, %arg10: memref<80xi32, #tpu.memory_space<vmem>>, %arg11: memref<80xi32, #tpu.memory_space<vmem>>, %arg12: memref<80xi32, #tpu.memory_space<vmem>>, %arg13: memref<80xi32, #tpu.memory_space<vmem>>, %arg14: memref<64x128xf32, #tpu.memory_space<vmem_shared>>, %arg15: memref<!tpu.dma_semaphore, #tpu.memory_space<semaphore_mem>>, %arg16: memref<!tpu.dma_semaphore, #tpu.memory_space<semaphore_mem>>, %arg17: memref<!tpu.dma_semaphore, #tpu.memory_space<semaphore_mem>>, %arg18: memref<!tpu.dma_semaphore, #tpu.memory_space<semaphore_mem>>, %arg19: memref<!tpu.dma_semaphore, #tpu.memory_space<semaphore_mem>>, %arg20: memref<!tpu.dma_semaphore, #tpu.memory_space<semaphore_mem>>, %arg21: memref<!tpu.dma_semaphore, #tpu.memory_space<semaphore_mem>>, %arg22: memref<!tpu.dma_semaphore, #tpu.memory_space<semaphore_mem>>) attributes {dimension_semantics = [#tpu.dimension_semantics<core_parallel>, #tpu.dimension_semantics<subcore_parallel>], iteration_bounds = array<i64: 2, 16>, scalar_prefetch = 0 : i64, scratch_operands = 17 : i64, tpu.core_type = #tpu.core_type<sc_vector_subcore>, window_params = [{transform_indices = #map}, {transform_indices = #map1}, {transform_indices = #map}, {transform_indices = #map2}]} {
    %mul3A = arith.constant 16 : i32
    %mul3A_0 = arith.muli %arg0, %mul3A : i32
    %add3A = arith.addi %mul3A_0, %arg1 : i32
    %mul3A_1 = arith.constant 39 : i32
    %mul3A_2 = arith.muli %mul3A_1, %add3A : i32
    %min3A = arith.constant 2 : i32
    %min3A_3 = arith.minsi %add3A, %min3A : i32
    %add3A_4 = arith.addi %mul3A_2, %min3A_3 : i32
    %lt3A = arith.constant 2 : i32
    %lt3A_5 = arith.cmpi slt, %add3A, %lt3A : i32
    %jit3A = arith.constant 1 : i32
    %jit3A_6 = arith.constant 0 : i32
    %select_n3A = arith.select %lt3A_5, %jit3A, %jit3A_6 : i32
    %add3A_7 = arith.constant 39 : i32
    %add3A_8 = arith.addi %add3A_7, %select_n3A : i32
    %eq3A = arith.constant 0 : i32
    %eq3A_9 = arith.cmpi eq, %arg1, %eq3A : i32
    %convert_element_type3A = arith.extui %eq3A_9 : i1 to i32
    %cond3A = arith.constant 0 : i32
    %cond3A_10 = arith.cmpi ne, %convert_element_type3A, %cond3A : i32
    scf.if %cond3A_10 {
      "tpu.region"() ({
        %run_scoped3A = tpu.sem_alloc : memref<!tpu.dma_semaphore, #tpu.memory_space<semaphore_mem>>
        tpu.enqueue_dma source(%arg4 : memref<64x128xf32, #tpu.memory_space<hbm>>) target(%arg14 : memref<64x128xf32, #tpu.memory_space<vmem_shared>>) target_semaphore(%run_scoped3A : memref<!tpu.dma_semaphore, #tpu.memory_space<semaphore_mem>>)
        tpu.wait_dma2 semaphore(%run_scoped3A : memref<!tpu.dma_semaphore, #tpu.memory_space<semaphore_mem>>) src(%arg4 : memref<64x128xf32, #tpu.memory_space<hbm>>) dst(%arg14 : memref<64x128xf32, #tpu.memory_space<vmem_shared>>)
        tpu.yield
      }) : () -> ()
    } else {
    }
    %barrier3A = arith.constant 0 : index
    tpu.barrier barrier_id(%barrier3A)
    %mul3A_11 = arith.constant 80 : i32
    %mul3A_12 = arith.muli %add3A_4, %mul3A_11 : i32
    %multiple_of3A = tpu.assume_multiple %mul3A_12, 8 : i32
    %dma_start3A = tpu.memref_slice %arg3[%multiple_of3A] : memref<100000xi32, #tpu.memory_space<hbm>> -> memref<80xi32, #tpu.memory_space<hbm>>
    %dma_start3A_13 = tpu.memref_slice %arg3[%multiple_of3A] : memref<100000xi32, #tpu.memory_space<hbm>> -> memref<80xi32, #tpu.memory_space<hbm>>
    tpu.enqueue_dma source(%dma_start3A_13 : memref<80xi32, #tpu.memory_space<hbm>>) target(%arg10 : memref<80xi32, #tpu.memory_space<vmem>>) target_semaphore(%arg15 : memref<!tpu.dma_semaphore, #tpu.memory_space<semaphore_mem>>)
    %dma_start3A_14 = arith.constant 0 : i32
    %dma_start3A_15 = tpu.memref_slice %arg2[%multiple_of3A, %dma_start3A_14] : memref<100000x128xf32, #tpu.memory_space<hbm>> -> memref<80x128xf32, #tpu.memory_space<hbm>>
    %dma_start3A_16 = arith.constant 0 : i32
    %dma_start3A_17 = tpu.memref_slice %arg2[%multiple_of3A, %dma_start3A_16] : memref<100000x128xf32, #tpu.memory_space<hbm>> -> memref<80x128xf32, #tpu.memory_space<hbm>>
    tpu.enqueue_dma source(%dma_start3A_17 : memref<80x128xf32, #tpu.memory_space<hbm>>) target(%arg6 : memref<80x128xf32, #tpu.memory_space<vmem>>) target_semaphore(%arg15 : memref<!tpu.dma_semaphore, #tpu.memory_space<semaphore_mem>>)
    %add3A_18 = arith.constant 1 : i32
    %add3A_19 = arith.addi %add3A_4, %add3A_18 : i32
    %mul3A_20 = arith.constant 80 : i32
    %mul3A_21 = arith.muli %add3A_19, %mul3A_20 : i32
    %multiple_of3A_22 = tpu.assume_multiple %mul3A_21, 8 : i32
    %dma_start3A_23 = tpu.memref_slice %arg3[%multiple_of3A_22] : memref<100000xi32, #tpu.memory_space<hbm>> -> memref<80xi32, #tpu.memory_space<hbm>>
    %dma_start3A_24 = tpu.memref_slice %arg3[%multiple_of3A_22] : memref<100000xi32, #tpu.memory_space<hbm>> -> memref<80xi32, #tpu.memory_space<hbm>>
    tpu.enqueue_dma source(%dma_start3A_24 : memref<80xi32, #tpu.memory_space<hbm>>) target(%arg11 : memref<80xi32, #tpu.memory_space<vmem>>) target_semaphore(%arg16 : memref<!tpu.dma_semaphore, #tpu.memory_space<semaphore_mem>>)
    %dma_start3A_25 = arith.constant 0 : i32
    %dma_start3A_26 = tpu.memref_slice %arg2[%multiple_of3A_22, %dma_start3A_25] : memref<100000x128xf32, #tpu.memory_space<hbm>> -> memref<80x128xf32, #tpu.memory_space<hbm>>
    %dma_start3A_27 = arith.constant 0 : i32
    %dma_start3A_28 = tpu.memref_slice %arg2[%multiple_of3A_22, %dma_start3A_27] : memref<100000x128xf32, #tpu.memory_space<hbm>> -> memref<80x128xf32, #tpu.memory_space<hbm>>
    tpu.enqueue_dma source(%dma_start3A_28 : memref<80x128xf32, #tpu.memory_space<hbm>>) target(%arg7 : memref<80x128xf32, #tpu.memory_space<vmem>>) target_semaphore(%arg16 : memref<!tpu.dma_semaphore, #tpu.memory_space<semaphore_mem>>)
    %scan3A = arith.constant 0 : i32
    %scan3A_29 = arith.constant 0 : i32
    %scan3A_30 = arith.constant 10 : i32
    %scan3A_31 = arith.addi %scan3A_29, %scan3A_30 : i32
    %scan3A_32 = arith.constant 1 : i32
    scf.for %scan3A_51 = %scan3A_29 to %scan3A_31 step %scan3A_32  : i32 {
      %mul3A_52 = arith.constant 4 : i32
      %mul3A_53 = arith.muli %mul3A_52, %scan3A_51 : i32
      %add3A_54 = arith.constant 0 : i32
      %add3A_55 = arith.addi %mul3A_53, %add3A_54 : i32
      %ge3A = arith.constant 2 : i32
      %ge3A_56 = arith.cmpi sge, %add3A_55, %ge3A : i32
      %add3A_57 = arith.constant 2 : i32
      %add3A_58 = arith.addi %add3A_55, %add3A_57 : i32
      %lt3A_59 = arith.cmpi slt, %add3A_58, %add3A_8 : i32
      %and3A = arith.andi %ge3A_56, %lt3A_59 : i1
      %convert_element_type3A_60 = arith.extui %and3A : i1 to i32
      %cond3A_61 = arith.constant 0 : i32
      %cond3A_62 = arith.cmpi ne, %convert_element_type3A_60, %cond3A_61 : i32
      scf.if %cond3A_62 {
        %dma_wait3A_142 = arith.constant 0 : i32
        %dma_wait3A_143 = arith.constant 0 : i32
        %dma_wait3A_144 = tpu.memref_slice %arg14[%dma_wait3A_142, %dma_wait3A_143] : memref<64x128xf32, #tpu.memory_space<vmem_shared>> -> memref<64x128xf32, #tpu.memory_space<vmem_shared>>
        tpu.wait_indirect_dma semaphore(%arg21 : memref<!tpu.dma_semaphore, #tpu.memory_space<semaphore_mem>>) src(%arg8 : memref<80x128xf32, #tpu.memory_space<vmem>>) dst(%dma_wait3A_144 : memref<64x128xf32, #tpu.memory_space<vmem_shared>>)
      } else {
      }
      %add3A_63 = arith.constant 2 : i32
      %add3A_64 = arith.addi %add3A_55, %add3A_63 : i32
      %lt3A_65 = arith.cmpi slt, %add3A_64, %add3A_8 : i32
      %convert_element_type3A_66 = arith.extui %lt3A_65 : i1 to i32
      %cond3A_67 = arith.constant 0 : i32
      %cond3A_68 = arith.cmpi ne, %convert_element_type3A_66, %cond3A_67 : i32
      scf.if %cond3A_68 {
        %add3A_142 = arith.addi %add3A_4, %add3A_55 : i32
        %add3A_143 = arith.constant 2 : i32
        %add3A_144 = arith.addi %add3A_142, %add3A_143 : i32
        %mul3A_145 = arith.constant 80 : i32
        %mul3A_146 = arith.muli %add3A_144, %mul3A_145 : i32
        %multiple_of3A_147 = tpu.assume_multiple %mul3A_146, 8 : i32
        %dma_start3A_148 = tpu.memref_slice %arg3[%multiple_of3A_147] : memref<100000xi32, #tpu.memory_space<hbm>> -> memref<80xi32, #tpu.memory_space<hbm>>
        %dma_start3A_149 = tpu.memref_slice %arg3[%multiple_of3A_147] : memref<100000xi32, #tpu.memory_space<hbm>> -> memref<80xi32, #tpu.memory_space<hbm>>
        tpu.enqueue_dma source(%dma_start3A_149 : memref<80xi32, #tpu.memory_space<hbm>>) target(%arg12 : memref<80xi32, #tpu.memory_space<vmem>>) target_semaphore(%arg17 : memref<!tpu.dma_semaphore, #tpu.memory_space<semaphore_mem>>)
        %dma_start3A_150 = arith.constant 0 : i32
        %dma_start3A_151 = tpu.memref_slice %arg2[%multiple_of3A_147, %dma_start3A_150] : memref<100000x128xf32, #tpu.memory_space<hbm>> -> memref<80x128xf32, #tpu.memory_space<hbm>>
        %dma_start3A_152 = arith.constant 0 : i32
        %dma_start3A_153 = tpu.memref_slice %arg2[%multiple_of3A_147, %dma_start3A_152] : memref<100000x128xf32, #tpu.memory_space<hbm>> -> memref<80x128xf32, #tpu.memory_space<hbm>>
        tpu.enqueue_dma source(%dma_start3A_153 : memref<80x128xf32, #tpu.memory_space<hbm>>) target(%arg8 : memref<80x128xf32, #tpu.memory_space<vmem>>) target_semaphore(%arg17 : memref<!tpu.dma_semaphore, #tpu.memory_space<semaphore_mem>>)
      } else {
      }
      %lt3A_69 = arith.cmpi slt, %add3A_55, %add3A_8 : i32
      %convert_element_type3A_70 = arith.extui %lt3A_69 : i1 to i32
      %cond3A_71 = arith.constant 0 : i32
      %cond3A_72 = arith.cmpi ne, %convert_element_type3A_70, %cond3A_71 : i32
      scf.if %cond3A_72 {
        %dma_wait3A_142 = arith.constant 0 : i32
        %dma_wait3A_143 = tpu.memref_slice %arg3[%dma_wait3A_142] : memref<100000xi32, #tpu.memory_space<hbm>> -> memref<80xi32, #tpu.memory_space<hbm>>
        %dma_wait3A_144 = arith.constant 0 : i32
        %dma_wait3A_145 = tpu.memref_slice %arg3[%dma_wait3A_144] : memref<100000xi32, #tpu.memory_space<hbm>> -> memref<80xi32, #tpu.memory_space<hbm>>
        tpu.wait_dma2 semaphore(%arg15 : memref<!tpu.dma_semaphore, #tpu.memory_space<semaphore_mem>>) src(%dma_wait3A_145 : memref<80xi32, #tpu.memory_space<hbm>>) dst(%arg10 : memref<80xi32, #tpu.memory_space<vmem>>)
        %dma_wait3A_146 = arith.constant 0 : i32
        %dma_wait3A_147 = arith.constant 0 : i32
        %dma_wait3A_148 = tpu.memref_slice %arg2[%dma_wait3A_146, %dma_wait3A_147] : memref<100000x128xf32, #tpu.memory_space<hbm>> -> memref<80x128xf32, #tpu.memory_space<hbm>>
        %dma_wait3A_149 = arith.constant 0 : i32
        %dma_wait3A_150 = arith.constant 0 : i32
        %dma_wait3A_151 = tpu.memref_slice %arg2[%dma_wait3A_149, %dma_wait3A_150] : memref<100000x128xf32, #tpu.memory_space<hbm>> -> memref<80x128xf32, #tpu.memory_space<hbm>>
        tpu.wait_dma2 semaphore(%arg15 : memref<!tpu.dma_semaphore, #tpu.memory_space<semaphore_mem>>) src(%dma_wait3A_151 : memref<80x128xf32, #tpu.memory_space<hbm>>) dst(%arg6 : memref<80x128xf32, #tpu.memory_space<vmem>>)
        %dma_start3A_152 = arith.constant 0 : i32
        %dma_start3A_153 = arith.constant 0 : i32
        %dma_start3A_154 = tpu.memref_slice %arg14[%dma_start3A_152, %dma_start3A_153] : memref<64x128xf32, #tpu.memory_space<vmem_shared>> -> memref<64x128xf32, #tpu.memory_space<vmem_shared>>
        tpu.enqueue_indirect_dma source(%arg6 : memref<80x128xf32, #tpu.memory_space<vmem>>) target(%dma_start3A_154 : memref<64x128xf32, #tpu.memory_space<vmem_shared>>) offsets(%arg10 : memref<80xi32, #tpu.memory_space<vmem>>) semaphore(%arg19 : memref<!tpu.dma_semaphore, #tpu.memory_space<semaphore_mem>>) {add = true}
      } else {
      }
      %mul3A_73 = arith.constant 4 : i32
      %mul3A_74 = arith.muli %mul3A_73, %scan3A_51 : i32
      %add3A_75 = arith.constant 1 : i32
      %add3A_76 = arith.addi %mul3A_74, %add3A_75 : i32
      %ge3A_77 = arith.constant 2 : i32
      %ge3A_78 = arith.cmpi sge, %add3A_76, %ge3A_77 : i32
      %add3A_79 = arith.constant 2 : i32
      %add3A_80 = arith.addi %add3A_76, %add3A_79 : i32
      %lt3A_81 = arith.cmpi slt, %add3A_80, %add3A_8 : i32
      %and3A_82 = arith.andi %ge3A_78, %lt3A_81 : i1
      %convert_element_type3A_83 = arith.extui %and3A_82 : i1 to i32
      %cond3A_84 = arith.constant 0 : i32
      %cond3A_85 = arith.cmpi ne, %convert_element_type3A_83, %cond3A_84 : i32
      scf.if %cond3A_85 {
        %dma_wait3A_142 = arith.constant 0 : i32
        %dma_wait3A_143 = arith.constant 0 : i32
        %dma_wait3A_144 = tpu.memref_slice %arg14[%dma_wait3A_142, %dma_wait3A_143] : memref<64x128xf32, #tpu.memory_space<vmem_shared>> -> memref<64x128xf32, #tpu.memory_space<vmem_shared>>
        tpu.wait_indirect_dma semaphore(%arg22 : memref<!tpu.dma_semaphore, #tpu.memory_space<semaphore_mem>>) src(%arg9 : memref<80x128xf32, #tpu.memory_space<vmem>>) dst(%dma_wait3A_144 : memref<64x128xf32, #tpu.memory_space<vmem_shared>>)
      } else {
      }
      %add3A_86 = arith.constant 2 : i32
      %add3A_87 = arith.addi %add3A_76, %add3A_86 : i32
      %lt3A_88 = arith.cmpi slt, %add3A_87, %add3A_8 : i32
      %convert_element_type3A_89 = arith.extui %lt3A_88 : i1 to i32
      %cond3A_90 = arith.constant 0 : i32
      %cond3A_91 = arith.cmpi ne, %convert_element_type3A_89, %cond3A_90 : i32
      scf.if %cond3A_91 {
        %add3A_142 = arith.addi %add3A_4, %add3A_76 : i32
        %add3A_143 = arith.constant 2 : i32
        %add3A_144 = arith.addi %add3A_142, %add3A_143 : i32
        %mul3A_145 = arith.constant 80 : i32
        %mul3A_146 = arith.muli %add3A_144, %mul3A_145 : i32
        %multiple_of3A_147 = tpu.assume_multiple %mul3A_146, 8 : i32
        %dma_start3A_148 = tpu.memref_slice %arg3[%multiple_of3A_147] : memref<100000xi32, #tpu.memory_space<hbm>> -> memref<80xi32, #tpu.memory_space<hbm>>
        %dma_start3A_149 = tpu.memref_slice %arg3[%multiple_of3A_147] : memref<100000xi32, #tpu.memory_space<hbm>> -> memref<80xi32, #tpu.memory_space<hbm>>
        tpu.enqueue_dma source(%dma_start3A_149 : memref<80xi32, #tpu.memory_space<hbm>>) target(%arg13 : memref<80xi32, #tpu.memory_space<vmem>>) target_semaphore(%arg18 : memref<!tpu.dma_semaphore, #tpu.memory_space<semaphore_mem>>)
        %dma_start3A_150 = arith.constant 0 : i32
        %dma_start3A_151 = tpu.memref_slice %arg2[%multiple_of3A_147, %dma_start3A_150] : memref<100000x128xf32, #tpu.memory_space<hbm>> -> memref<80x128xf32, #tpu.memory_space<hbm>>
        %dma_start3A_152 = arith.constant 0 : i32
        %dma_start3A_153 = tpu.memref_slice %arg2[%multiple_of3A_147, %dma_start3A_152] : memref<100000x128xf32, #tpu.memory_space<hbm>> -> memref<80x128xf32, #tpu.memory_space<hbm>>
        tpu.enqueue_dma source(%dma_start3A_153 : memref<80x128xf32, #tpu.memory_space<hbm>>) target(%arg9 : memref<80x128xf32, #tpu.memory_space<vmem>>) target_semaphore(%arg18 : memref<!tpu.dma_semaphore, #tpu.memory_space<semaphore_mem>>)
      } else {
      }
      %lt3A_92 = arith.cmpi slt, %add3A_76, %add3A_8 : i32
      %convert_element_type3A_93 = arith.extui %lt3A_92 : i1 to i32
      %cond3A_94 = arith.constant 0 : i32
      %cond3A_95 = arith.cmpi ne, %convert_element_type3A_93, %cond3A_94 : i32
      scf.if %cond3A_95 {
        %dma_wait3A_142 = arith.constant 0 : i32
        %dma_wait3A_143 = tpu.memref_slice %arg3[%dma_wait3A_142] : memref<100000xi32, #tpu.memory_space<hbm>> -> memref<80xi32, #tpu.memory_space<hbm>>
        %dma_wait3A_144 = arith.constant 0 : i32
        %dma_wait3A_145 = tpu.memref_slice %arg3[%dma_wait3A_144] : memref<100000xi32, #tpu.memory_space<hbm>> -> memref<80xi32, #tpu.memory_space<hbm>>
        tpu.wait_dma2 semaphore(%arg16 : memref<!tpu.dma_semaphore, #tpu.memory_space<semaphore_mem>>) src(%dma_wait3A_145 : memref<80xi32, #tpu.memory_space<hbm>>) dst(%arg11 : memref<80xi32, #tpu.memory_space<vmem>>)
        %dma_wait3A_146 = arith.constant 0 : i32
        %dma_wait3A_147 = arith.constant 0 : i32
        %dma_wait3A_148 = tpu.memref_slice %arg2[%dma_wait3A_146, %dma_wait3A_147] : memref<100000x128xf32, #tpu.memory_space<hbm>> -> memref<80x128xf32, #tpu.memory_space<hbm>>
        %dma_wait3A_149 = arith.constant 0 : i32
        %dma_wait3A_150 = arith.constant 0 : i32
        %dma_wait3A_151 = tpu.memref_slice %arg2[%dma_wait3A_149, %dma_wait3A_150] : memref<100000x128xf32, #tpu.memory_space<hbm>> -> memref<80x128xf32, #tpu.memory_space<hbm>>
        tpu.wait_dma2 semaphore(%arg16 : memref<!tpu.dma_semaphore, #tpu.memory_space<semaphore_mem>>) src(%dma_wait3A_151 : memref<80x128xf32, #tpu.memory_space<hbm>>) dst(%arg7 : memref<80x128xf32, #tpu.memory_space<vmem>>)
        %dma_start3A_152 = arith.constant 0 : i32
        %dma_start3A_153 = arith.constant 0 : i32
        %dma_start3A_154 = tpu.memref_slice %arg14[%dma_start3A_152, %dma_start3A_153] : memref<64x128xf32, #tpu.memory_space<vmem_shared>> -> memref<64x128xf32, #tpu.memory_space<vmem_shared>>
        tpu.enqueue_indirect_dma source(%arg7 : memref<80x128xf32, #tpu.memory_space<vmem>>) target(%dma_start3A_154 : memref<64x128xf32, #tpu.memory_space<vmem_shared>>) offsets(%arg11 : memref<80xi32, #tpu.memory_space<vmem>>) semaphore(%arg20 : memref<!tpu.dma_semaphore, #tpu.memory_space<semaphore_mem>>) {add = true}
      } else {
      }
      %mul3A_96 = arith.constant 4 : i32
      %mul3A_97 = arith.muli %mul3A_96, %scan3A_51 : i32
      %add3A_98 = arith.constant 2 : i32
      %add3A_99 = arith.addi %mul3A_97, %add3A_98 : i32
      %ge3A_100 = arith.constant 2 : i32
      %ge3A_101 = arith.cmpi sge, %add3A_99, %ge3A_100 : i32
      %add3A_102 = arith.constant 2 : i32
      %add3A_103 = arith.addi %add3A_99, %add3A_102 : i32
      %lt3A_104 = arith.cmpi slt, %add3A_103, %add3A_8 : i32
      %and3A_105 = arith.andi %ge3A_101, %lt3A_104 : i1
      %convert_element_type3A_106 = arith.extui %and3A_105 : i1 to i32
      %cond3A_107 = arith.constant 0 : i32
      %cond3A_108 = arith.cmpi ne, %convert_element_type3A_106, %cond3A_107 : i32
      scf.if %cond3A_108 {
        %dma_wait3A_142 = arith.constant 0 : i32
        %dma_wait3A_143 = arith.constant 0 : i32
        %dma_wait3A_144 = tpu.memref_slice %arg14[%dma_wait3A_142, %dma_wait3A_143] : memref<64x128xf32, #tpu.memory_space<vmem_shared>> -> memref<64x128xf32, #tpu.memory_space<vmem_shared>>
        tpu.wait_indirect_dma semaphore(%arg19 : memref<!tpu.dma_semaphore, #tpu.memory_space<semaphore_mem>>) src(%arg6 : memref<80x128xf32, #tpu.memory_space<vmem>>) dst(%dma_wait3A_144 : memref<64x128xf32, #tpu.memory_space<vmem_shared>>)
      } else {
      }
      %add3A_109 = arith.constant 2 : i32
      %add3A_110 = arith.addi %add3A_99, %add3A_109 : i32
      %lt3A_111 = arith.cmpi slt, %add3A_110, %add3A_8 : i32
      %convert_element_type3A_112 = arith.extui %lt3A_111 : i1 to i32
      %cond3A_113 = arith.constant 0 : i32
      %cond3A_114 = arith.cmpi ne, %convert_element_type3A_112, %cond3A_113 : i32
      scf.if %cond3A_114 {
        %add3A_142 = arith.addi %add3A_4, %add3A_99 : i32
        %add3A_143 = arith.constant 2 : i32
        %add3A_144 = arith.addi %add3A_142, %add3A_143 : i32
        %mul3A_145 = arith.constant 80 : i32
        %mul3A_146 = arith.muli %add3A_144, %mul3A_145 : i32
        %multiple_of3A_147 = tpu.assume_multiple %mul3A_146, 8 : i32
        %dma_start3A_148 = tpu.memref_slice %arg3[%multiple_of3A_147] : memref<100000xi32, #tpu.memory_space<hbm>> -> memref<80xi32, #tpu.memory_space<hbm>>
        %dma_start3A_149 = tpu.memref_slice %arg3[%multiple_of3A_147] : memref<100000xi32, #tpu.memory_space<hbm>> -> memref<80xi32, #tpu.memory_space<hbm>>
        tpu.enqueue_dma source(%dma_start3A_149 : memref<80xi32, #tpu.memory_space<hbm>>) target(%arg10 : memref<80xi32, #tpu.memory_space<vmem>>) target_semaphore(%arg15 : memref<!tpu.dma_semaphore, #tpu.memory_space<semaphore_mem>>)
        %dma_start3A_150 = arith.constant 0 : i32
        %dma_start3A_151 = tpu.memref_slice %arg2[%multiple_of3A_147, %dma_start3A_150] : memref<100000x128xf32, #tpu.memory_space<hbm>> -> memref<80x128xf32, #tpu.memory_space<hbm>>
        %dma_start3A_152 = arith.constant 0 : i32
        %dma_start3A_153 = tpu.memref_slice %arg2[%multiple_of3A_147, %dma_start3A_152] : memref<100000x128xf32, #tpu.memory_space<hbm>> -> memref<80x128xf32, #tpu.memory_space<hbm>>
        tpu.enqueue_dma source(%dma_start3A_153 : memref<80x128xf32, #tpu.memory_space<hbm>>) target(%arg6 : memref<80x128xf32, #tpu.memory_space<vmem>>) target_semaphore(%arg15 : memref<!tpu.dma_semaphore, #tpu.memory_space<semaphore_mem>>)
      } else {
      }
      %lt3A_115 = arith.cmpi slt, %add3A_99, %add3A_8 : i32
      %convert_element_type3A_116 = arith.extui %lt3A_115 : i1 to i32
      %cond3A_117 = arith.constant 0 : i32
      %cond3A_118 = arith.cmpi ne, %convert_element_type3A_116, %cond3A_117 : i32
      scf.if %cond3A_118 {
        %dma_wait3A_142 = arith.constant 0 : i32
        %dma_wait3A_143 = tpu.memref_slice %arg3[%dma_wait3A_142] : memref<100000xi32, #tpu.memory_space<hbm>> -> memref<80xi32, #tpu.memory_space<hbm>>
        %dma_wait3A_144 = arith.constant 0 : i32
        %dma_wait3A_145 = tpu.memref_slice %arg3[%dma_wait3A_144] : memref<100000xi32, #tpu.memory_space<hbm>> -> memref<80xi32, #tpu.memory_space<hbm>>
        tpu.wait_dma2 semaphore(%arg17 : memref<!tpu.dma_semaphore, #tpu.memory_space<semaphore_mem>>) src(%dma_wait3A_145 : memref<80xi32, #tpu.memory_space<hbm>>) dst(%arg12 : memref<80xi32, #tpu.memory_space<vmem>>)
        %dma_wait3A_146 = arith.constant 0 : i32
        %dma_wait3A_147 = arith.constant 0 : i32
        %dma_wait3A_148 = tpu.memref_slice %arg2[%dma_wait3A_146, %dma_wait3A_147] : memref<100000x128xf32, #tpu.memory_space<hbm>> -> memref<80x128xf32, #tpu.memory_space<hbm>>
        %dma_wait3A_149 = arith.constant 0 : i32
        %dma_wait3A_150 = arith.constant 0 : i32
        %dma_wait3A_151 = tpu.memref_slice %arg2[%dma_wait3A_149, %dma_wait3A_150] : memref<100000x128xf32, #tpu.memory_space<hbm>> -> memref<80x128xf32, #tpu.memory_space<hbm>>
        tpu.wait_dma2 semaphore(%arg17 : memref<!tpu.dma_semaphore, #tpu.memory_space<semaphore_mem>>) src(%dma_wait3A_151 : memref<80x128xf32, #tpu.memory_space<hbm>>) dst(%arg8 : memref<80x128xf32, #tpu.memory_space<vmem>>)
        %dma_start3A_152 = arith.constant 0 : i32
        %dma_start3A_153 = arith.constant 0 : i32
        %dma_start3A_154 = tpu.memref_slice %arg14[%dma_start3A_152, %dma_start3A_153] : memref<64x128xf32, #tpu.memory_space<vmem_shared>> -> memref<64x128xf32, #tpu.memory_space<vmem_shared>>
        tpu.enqueue_indirect_dma source(%arg8 : memref<80x128xf32, #tpu.memory_space<vmem>>) target(%dma_start3A_154 : memref<64x128xf32, #tpu.memory_space<vmem_shared>>) offsets(%arg12 : memref<80xi32, #tpu.memory_space<vmem>>) semaphore(%arg21 : memref<!tpu.dma_semaphore, #tpu.memory_space<semaphore_mem>>) {add = true}
      } else {
      }
      %mul3A_119 = arith.constant 4 : i32
      %mul3A_120 = arith.muli %mul3A_119, %scan3A_51 : i32
      %add3A_121 = arith.constant 3 : i32
      %add3A_122 = arith.addi %mul3A_120, %add3A_121 : i32
      %ge3A_123 = arith.constant 2 : i32
      %ge3A_124 = arith.cmpi sge, %add3A_122, %ge3A_123 : i32
      %add3A_125 = arith.constant 2 : i32
      %add3A_126 = arith.addi %add3A_122, %add3A_125 : i32
      %lt3A_127 = arith.cmpi slt, %add3A_126, %add3A_8 : i32
      %and3A_128 = arith.andi %ge3A_124, %lt3A_127 : i1
      %convert_element_type3A_129 = arith.extui %and3A_128 : i1 to i32
      %cond3A_130 = arith.constant 0 : i32
      %cond3A_131 = arith.cmpi ne, %convert_element_type3A_129, %cond3A_130 : i32
      scf.if %cond3A_131 {
        %dma_wait3A_142 = arith.constant 0 : i32
        %dma_wait3A_143 = arith.constant 0 : i32
        %dma_wait3A_144 = tpu.memref_slice %arg14[%dma_wait3A_142, %dma_wait3A_143] : memref<64x128xf32, #tpu.memory_space<vmem_shared>> -> memref<64x128xf32, #tpu.memory_space<vmem_shared>>
        tpu.wait_indirect_dma semaphore(%arg20 : memref<!tpu.dma_semaphore, #tpu.memory_space<semaphore_mem>>) src(%arg7 : memref<80x128xf32, #tpu.memory_space<vmem>>) dst(%dma_wait3A_144 : memref<64x128xf32, #tpu.memory_space<vmem_shared>>)
      } else {
      }
      %add3A_132 = arith.constant 2 : i32
      %add3A_133 = arith.addi %add3A_122, %add3A_132 : i32
      %lt3A_134 = arith.cmpi slt, %add3A_133, %add3A_8 : i32
      %convert_element_type3A_135 = arith.extui %lt3A_134 : i1 to i32
      %cond3A_136 = arith.constant 0 : i32
      %cond3A_137 = arith.cmpi ne, %convert_element_type3A_135, %cond3A_136 : i32
      scf.if %cond3A_137 {
        %add3A_142 = arith.addi %add3A_4, %add3A_122 : i32
        %add3A_143 = arith.constant 2 : i32
        %add3A_144 = arith.addi %add3A_142, %add3A_143 : i32
        %mul3A_145 = arith.constant 80 : i32
        %mul3A_146 = arith.muli %add3A_144, %mul3A_145 : i32
        %multiple_of3A_147 = tpu.assume_multiple %mul3A_146, 8 : i32
        %dma_start3A_148 = tpu.memref_slice %arg3[%multiple_of3A_147] : memref<100000xi32, #tpu.memory_space<hbm>> -> memref<80xi32, #tpu.memory_space<hbm>>
        %dma_start3A_149 = tpu.memref_slice %arg3[%multiple_of3A_147] : memref<100000xi32, #tpu.memory_space<hbm>> -> memref<80xi32, #tpu.memory_space<hbm>>
        tpu.enqueue_dma source(%dma_start3A_149 : memref<80xi32, #tpu.memory_space<hbm>>) target(%arg11 : memref<80xi32, #tpu.memory_space<vmem>>) target_semaphore(%arg16 : memref<!tpu.dma_semaphore, #tpu.memory_space<semaphore_mem>>)
        %dma_start3A_150 = arith.constant 0 : i32
        %dma_start3A_151 = tpu.memref_slice %arg2[%multiple_of3A_147, %dma_start3A_150] : memref<100000x128xf32, #tpu.memory_space<hbm>> -> memref<80x128xf32, #tpu.memory_space<hbm>>
        %dma_start3A_152 = arith.constant 0 : i32
        %dma_start3A_153 = tpu.memref_slice %arg2[%multiple_of3A_147, %dma_start3A_152] : memref<100000x128xf32, #tpu.memory_space<hbm>> -> memref<80x128xf32, #tpu.memory_space<hbm>>
        tpu.enqueue_dma source(%dma_start3A_153 : memref<80x128xf32, #tpu.memory_space<hbm>>) target(%arg7 : memref<80x128xf32, #tpu.memory_space<vmem>>) target_semaphore(%arg16 : memref<!tpu.dma_semaphore, #tpu.memory_space<semaphore_mem>>)
      } else {
      }
      %lt3A_138 = arith.cmpi slt, %add3A_122, %add3A_8 : i32
      %convert_element_type3A_139 = arith.extui %lt3A_138 : i1 to i32
      %cond3A_140 = arith.constant 0 : i32
      %cond3A_141 = arith.cmpi ne, %convert_element_type3A_139, %cond3A_140 : i32
      scf.if %cond3A_141 {
        %dma_wait3A_142 = arith.constant 0 : i32
        %dma_wait3A_143 = tpu.memref_slice %arg3[%dma_wait3A_142] : memref<100000xi32, #tpu.memory_space<hbm>> -> memref<80xi32, #tpu.memory_space<hbm>>
        %dma_wait3A_144 = arith.constant 0 : i32
        %dma_wait3A_145 = tpu.memref_slice %arg3[%dma_wait3A_144] : memref<100000xi32, #tpu.memory_space<hbm>> -> memref<80xi32, #tpu.memory_space<hbm>>
        tpu.wait_dma2 semaphore(%arg18 : memref<!tpu.dma_semaphore, #tpu.memory_space<semaphore_mem>>) src(%dma_wait3A_145 : memref<80xi32, #tpu.memory_space<hbm>>) dst(%arg13 : memref<80xi32, #tpu.memory_space<vmem>>)
        %dma_wait3A_146 = arith.constant 0 : i32
        %dma_wait3A_147 = arith.constant 0 : i32
        %dma_wait3A_148 = tpu.memref_slice %arg2[%dma_wait3A_146, %dma_wait3A_147] : memref<100000x128xf32, #tpu.memory_space<hbm>> -> memref<80x128xf32, #tpu.memory_space<hbm>>
        %dma_wait3A_149 = arith.constant 0 : i32
        %dma_wait3A_150 = arith.constant 0 : i32
        %dma_wait3A_151 = tpu.memref_slice %arg2[%dma_wait3A_149, %dma_wait3A_150] : memref<100000x128xf32, #tpu.memory_space<hbm>> -> memref<80x128xf32, #tpu.memory_space<hbm>>
        tpu.wait_dma2 semaphore(%arg18 : memref<!tpu.dma_semaphore, #tpu.memory_space<semaphore_mem>>) src(%dma_wait3A_151 : memref<80x128xf32, #tpu.memory_space<hbm>>) dst(%arg9 : memref<80x128xf32, #tpu.memory_space<vmem>>)
        %dma_start3A_152 = arith.constant 0 : i32
        %dma_start3A_153 = arith.constant 0 : i32
        %dma_start3A_154 = tpu.memref_slice %arg14[%dma_start3A_152, %dma_start3A_153] : memref<64x128xf32, #tpu.memory_space<vmem_shared>> -> memref<64x128xf32, #tpu.memory_space<vmem_shared>>
        tpu.enqueue_indirect_dma source(%arg9 : memref<80x128xf32, #tpu.memory_space<vmem>>) target(%dma_start3A_154 : memref<64x128xf32, #tpu.memory_space<vmem_shared>>) offsets(%arg13 : memref<80xi32, #tpu.memory_space<vmem>>) semaphore(%arg22 : memref<!tpu.dma_semaphore, #tpu.memory_space<semaphore_mem>>) {add = true}
      } else {
      }
    }
    %scan3A_33 = arith.constant 10 : i32
    %dma_wait3A = arith.constant 0 : i32
    %dma_wait3A_34 = arith.constant 0 : i32
    %dma_wait3A_35 = tpu.memref_slice %arg14[%dma_wait3A, %dma_wait3A_34] : memref<64x128xf32, #tpu.memory_space<vmem_shared>> -> memref<64x128xf32, #tpu.memory_space<vmem_shared>>
    tpu.wait_indirect_dma semaphore(%arg19 : memref<!tpu.dma_semaphore, #tpu.memory_space<semaphore_mem>>) src(%arg6 : memref<80x128xf32, #tpu.memory_space<vmem>>) dst(%dma_wait3A_35 : memref<64x128xf32, #tpu.memory_space<vmem_shared>>)
    %dma_wait3A_36 = arith.constant 0 : i32
    %dma_wait3A_37 = arith.constant 0 : i32
    %dma_wait3A_38 = tpu.memref_slice %arg14[%dma_wait3A_36, %dma_wait3A_37] : memref<64x128xf32, #tpu.memory_space<vmem_shared>> -> memref<64x128xf32, #tpu.memory_space<vmem_shared>>
    tpu.wait_indirect_dma semaphore(%arg20 : memref<!tpu.dma_semaphore, #tpu.memory_space<semaphore_mem>>) src(%arg7 : memref<80x128xf32, #tpu.memory_space<vmem>>) dst(%dma_wait3A_38 : memref<64x128xf32, #tpu.memory_space<vmem_shared>>)
    %dma_wait3A_39 = arith.constant 0 : i32
    %dma_wait3A_40 = arith.constant 0 : i32
    %dma_wait3A_41 = tpu.memref_slice %arg14[%dma_wait3A_39, %dma_wait3A_40] : memref<64x128xf32, #tpu.memory_space<vmem_shared>> -> memref<64x128xf32, #tpu.memory_space<vmem_shared>>
    tpu.wait_indirect_dma semaphore(%arg21 : memref<!tpu.dma_semaphore, #tpu.memory_space<semaphore_mem>>) src(%arg8 : memref<80x128xf32, #tpu.memory_space<vmem>>) dst(%dma_wait3A_41 : memref<64x128xf32, #tpu.memory_space<vmem_shared>>)
    %dma_wait3A_42 = arith.constant 0 : i32
    %dma_wait3A_43 = arith.constant 0 : i32
    %dma_wait3A_44 = tpu.memref_slice %arg14[%dma_wait3A_42, %dma_wait3A_43] : memref<64x128xf32, #tpu.memory_space<vmem_shared>> -> memref<64x128xf32, #tpu.memory_space<vmem_shared>>
    tpu.wait_indirect_dma semaphore(%arg22 : memref<!tpu.dma_semaphore, #tpu.memory_space<semaphore_mem>>) src(%arg9 : memref<80x128xf32, #tpu.memory_space<vmem>>) dst(%dma_wait3A_44 : memref<64x128xf32, #tpu.memory_space<vmem_shared>>)
    %barrier3A_45 = arith.constant 0 : index
    tpu.barrier barrier_id(%barrier3A_45)
    %eq3A_46 = arith.constant 0 : i32
    %eq3A_47 = arith.cmpi eq, %arg1, %eq3A_46 : i32
    %convert_element_type3A_48 = arith.extui %eq3A_47 : i1 to i32
    %cond3A_49 = arith.constant 0 : i32
    %cond3A_50 = arith.cmpi ne, %convert_element_type3A_48, %cond3A_49 : i32
    scf.if %cond3A_50 {
      "tpu.region"() ({
        %run_scoped3A = tpu.sem_alloc : memref<!tpu.dma_semaphore, #tpu.memory_space<semaphore_mem>>
        %dma_start3A_51 = arith.constant 0 : i32
        %dma_start3A_52 = arith.constant 0 : i32
        %dma_start3A_53 = tpu.memref_slice %arg5[%arg0, %dma_start3A_51, %dma_start3A_52] : memref<2x64x128xf32, #tpu.memory_space<hbm>> -> memref<1x64x128xf32, #tpu.memory_space<hbm>>
        %dma_start3A_54 = tpu.memref_squeeze %dma_start3A_53 : memref<1x64x128xf32, #tpu.memory_space<hbm>> -> memref<64x128xf32, #tpu.memory_space<hbm>>
        tpu.enqueue_dma source(%arg14 : memref<64x128xf32, #tpu.memory_space<vmem_shared>>) target(%dma_start3A_54 : memref<64x128xf32, #tpu.memory_space<hbm>>) target_semaphore(%run_scoped3A : memref<!tpu.dma_semaphore, #tpu.memory_space<semaphore_mem>>)
        %dma_wait3A_55 = arith.constant 0 : i32
        %dma_wait3A_56 = arith.constant 0 : i32
        %dma_wait3A_57 = tpu.memref_slice %arg5[%arg0, %dma_wait3A_55, %dma_wait3A_56] : memref<2x64x128xf32, #tpu.memory_space<hbm>> -> memref<1x64x128xf32, #tpu.memory_space<hbm>>
        %dma_wait3A_58 = tpu.memref_squeeze %dma_wait3A_57 : memref<1x64x128xf32, #tpu.memory_space<hbm>> -> memref<64x128xf32, #tpu.memory_space<hbm>>
        tpu.wait_dma2 semaphore(%run_scoped3A : memref<!tpu.dma_semaphore, #tpu.memory_space<semaphore_mem>>) src(%arg14 : memref<64x128xf32, #tpu.memory_space<vmem_shared>>) dst(%dma_wait3A_58 : memref<64x128xf32, #tpu.memory_space<hbm>>)
        tpu.yield
      }) : () -> ()
    } else {
    }
    return
  }
}

module attributes {stable_mosaic.version = 14 : i64} {
  func.func @_combine_body(%arg0: memref<2x64x128xf32, #tpu.memory_space<vmem>>, %arg1: memref<64x1xf32, #tpu.memory_space<vmem>>, %arg2: memref<64x128xf32, #tpu.memory_space<vmem>>) attributes {dimension_semantics = [], scalar_prefetch = 0 : i64, scratch_operands = 0 : i64, tpu.core_type = #tpu.core_type<tc>} {
    %get3A = arith.constant 0 : index
    %get3A_0 = arith.constant 0 : index
    %get3A_1 = arith.constant 0 : index
    %get3A_2 = vector.load %arg0[%get3A, %get3A_0, %get3A_1] : memref<2x64x128xf32, #tpu.memory_space<vmem>>, vector<1x64x128xf32>
    %get3A_3 = vector.shape_cast %get3A_2 : vector<1x64x128xf32> to vector<64x128xf32>
    %get3A_4 = arith.constant 1 : index
    %get3A_5 = arith.constant 0 : index
    %get3A_6 = arith.constant 0 : index
    %get3A_7 = vector.load %arg0[%get3A_4, %get3A_5, %get3A_6] : memref<2x64x128xf32, #tpu.memory_space<vmem>>, vector<1x64x128xf32>
    %get3A_8 = vector.shape_cast %get3A_7 : vector<1x64x128xf32> to vector<64x128xf32>
    %add3A = arith.addf %get3A_3, %get3A_8 : vector<64x128xf32>
    %get3A_9 = arith.constant 0 : index
    %get3A_10 = arith.constant 0 : index
    %get3A_11 = vector.load %arg1[%get3A_9, %get3A_10] : memref<64x1xf32, #tpu.memory_space<vmem>>, vector<64x1xf32>
    %div3A = vector.broadcast %get3A_11 : vector<64x1xf32> to vector<64x128xf32>
    %div3A_12 = arith.divf %add3A, %div3A : vector<64x128xf32>
    %swap3A = arith.constant 0 : index
    %swap3A_13 = arith.constant 0 : index
    %swap3A_14 = vector.load %arg2[%swap3A, %swap3A_13] : memref<64x128xf32, #tpu.memory_space<vmem>>, vector<64x128xf32>
    tpu.vector_store %arg2[%swap3A, %swap3A_13], %div3A_12 {strides = array<i32>} : memref<64x128xf32, #tpu.memory_space<vmem>>, vector<64x128xf32>,
    return
  }
}

module attributes {stable_mosaic.version = 14 : i64} {
  func.func @_hist_body(%arg0: memref<782x128xi32, #tpu.memory_space<vmem>>, %arg1: memref<64x1xf32, #tpu.memory_space<vmem>>) attributes {dimension_semantics = [], scalar_prefetch = 0 : i64, scratch_operands = 0 : i64, tpu.core_type = #tpu.core_type<tc>} {
    %get3A = arith.constant 0 : index
    %get3A_0 = arith.constant 0 : index
    %get3A_1 = vector.load %arg0[%get3A, %get3A_0] : memref<782x128xi32, #tpu.memory_space<vmem>>, vector<782x128xi32>
    %eq3A = arith.constant 0 : i32
    %eq3A_2 = vector.broadcast %eq3A : i32 to vector<782x128xi32>
    %eq3A_3 = arith.cmpi eq, %get3A_1, %eq3A_2 : vector<782x128xi32>
    %jit3A = arith.constant 1.000000e+00 : f32
    %jit3A_4 = arith.constant 0.000000e+00 : f32
    %broadcast_in_dim3A = vector.broadcast %jit3A : f32 to vector<782x128xf32>
    %broadcast_in_dim3A_5 = vector.broadcast %jit3A_4 : f32 to vector<782x128xf32>
    %select_n3A = arith.select %eq3A_3, %broadcast_in_dim3A, %broadcast_in_dim3A_5 : vector<782x128xi1>, vector<782x128xf32>
    %reduce_sum3A = vector.shape_cast %select_n3A : vector<782x128xf32> to vector<1x782x128xf32>
    %reduce_sum3A_6 = arith.constant dense<0.000000e+00> : vector<1xf32>
    %reduce_sum3A_7 = vector.multi_reduction <add>, %reduce_sum3A, %reduce_sum3A_6 [1, 2] : vector<1x782x128xf32> to vector<1xf32>
    %reduce_sum3A_8 = vector.shape_cast %reduce_sum3A_7 : vector<1xf32> to vector<1x1x1xf32>
    %reduce_sum3A_9 = vector.extract %reduce_sum3A_8[0, 0, 0] : f32 from vector<1x1x1xf32>
    %eq3A_10 = arith.constant 1 : i32
    %eq3A_11 = vector.broadcast %eq3A_10 : i32 to vector<782x128xi32>
    %eq3A_12 = arith.cmpi eq, %get3A_1, %eq3A_11 : vector<782x128xi32>
    %jit3A_13 = arith.constant 1.000000e+00 : f32
    %jit3A_14 = arith.constant 0.000000e+00 : f32
    %broadcast_in_dim3A_15 = vector.broadcast %jit3A_13 : f32 to vector<782x128xf32>
    %broadcast_in_dim3A_16 = vector.broadcast %jit3A_14 : f32 to vector<782x128xf32>
    %select_n3A_17 = arith.select %eq3A_12, %broadcast_in_dim3A_15, %broadcast_in_dim3A_16 : vector<782x128xi1>, vector<782x128xf32>
    %reduce_sum3A_18 = vector.shape_cast %select_n3A_17 : vector<782x128xf32> to vector<1x782x128xf32>
    %reduce_sum3A_19 = arith.constant dense<0.000000e+00> : vector<1xf32>
    %reduce_sum3A_20 = vector.multi_reduction <add>, %reduce_sum3A_18, %reduce_sum3A_19 [1, 2] : vector<1x782x128xf32> to vector<1xf32>
    %reduce_sum3A_21 = vector.shape_cast %reduce_sum3A_20 : vector<1xf32> to vector<1x1x1xf32>
    %reduce_sum3A_22 = vector.extract %reduce_sum3A_21[0, 0, 0] : f32 from vector<1x1x1xf32>
    %eq3A_23 = arith.constant 2 : i32
    %eq3A_24 = vector.broadcast %eq3A_23 : i32 to vector<782x128xi32>
    %eq3A_25 = arith.cmpi eq, %get3A_1, %eq3A_24 : vector<782x128xi32>
    %jit3A_26 = arith.constant 1.000000e+00 : f32
    %jit3A_27 = arith.constant 0.000000e+00 : f32
    %broadcast_in_dim3A_28 = vector.broadcast %jit3A_26 : f32 to vector<782x128xf32>
    %broadcast_in_dim3A_29 = vector.broadcast %jit3A_27 : f32 to vector<782x128xf32>
    %select_n3A_30 = arith.select %eq3A_25, %broadcast_in_dim3A_28, %broadcast_in_dim3A_29 : vector<782x128xi1>, vector<782x128xf32>
    %reduce_sum3A_31 = vector.shape_cast %select_n3A_30 : vector<782x128xf32> to vector<1x782x128xf32>
    %reduce_sum3A_32 = arith.constant dense<0.000000e+00> : vector<1xf32>
    %reduce_sum3A_33 = vector.multi_reduction <add>, %reduce_sum3A_31, %reduce_sum3A_32 [1, 2] : vector<1x782x128xf32> to vector<1xf32>
    %reduce_sum3A_34 = vector.shape_cast %reduce_sum3A_33 : vector<1xf32> to vector<1x1x1xf32>
    %reduce_sum3A_35 = vector.extract %reduce_sum3A_34[0, 0, 0] : f32 from vector<1x1x1xf32>
    %eq3A_36 = arith.constant 3 : i32
    %eq3A_37 = vector.broadcast %eq3A_36 : i32 to vector<782x128xi32>
    %eq3A_38 = arith.cmpi eq, %get3A_1, %eq3A_37 : vector<782x128xi32>
    %jit3A_39 = arith.constant 1.000000e+00 : f32
    %jit3A_40 = arith.constant 0.000000e+00 : f32
    %broadcast_in_dim3A_41 = vector.broadcast %jit3A_39 : f32 to vector<782x128xf32>
    %broadcast_in_dim3A_42 = vector.broadcast %jit3A_40 : f32 to vector<782x128xf32>
    %select_n3A_43 = arith.select %eq3A_38, %broadcast_in_dim3A_41, %broadcast_in_dim3A_42 : vector<782x128xi1>, vector<782x128xf32>
    %reduce_sum3A_44 = vector.shape_cast %select_n3A_43 : vector<782x128xf32> to vector<1x782x128xf32>
    %reduce_sum3A_45 = arith.constant dense<0.000000e+00> : vector<1xf32>
    %reduce_sum3A_46 = vector.multi_reduction <add>, %reduce_sum3A_44, %reduce_sum3A_45 [1, 2] : vector<1x782x128xf32> to vector<1xf32>
    %reduce_sum3A_47 = vector.shape_cast %reduce_sum3A_46 : vector<1xf32> to vector<1x1x1xf32>
    %reduce_sum3A_48 = vector.extract %reduce_sum3A_47[0, 0, 0] : f32 from vector<1x1x1xf32>
    %eq3A_49 = arith.constant 4 : i32
    %eq3A_50 = vector.broadcast %eq3A_49 : i32 to vector<782x128xi32>
    %eq3A_51 = arith.cmpi eq, %get3A_1, %eq3A_50 : vector<782x128xi32>
    %jit3A_52 = arith.constant 1.000000e+00 : f32
    %jit3A_53 = arith.constant 0.000000e+00 : f32
    %broadcast_in_dim3A_54 = vector.broadcast %jit3A_52 : f32 to vector<782x128xf32>
    %broadcast_in_dim3A_55 = vector.broadcast %jit3A_53 : f32 to vector<782x128xf32>
    %select_n3A_56 = arith.select %eq3A_51, %broadcast_in_dim3A_54, %broadcast_in_dim3A_55 : vector<782x128xi1>, vector<782x128xf32>
    %reduce_sum3A_57 = vector.shape_cast %select_n3A_56 : vector<782x128xf32> to vector<1x782x128xf32>
    %reduce_sum3A_58 = arith.constant dense<0.000000e+00> : vector<1xf32>
    %reduce_sum3A_59 = vector.multi_reduction <add>, %reduce_sum3A_57, %reduce_sum3A_58 [1, 2] : vector<1x782x128xf32> to vector<1xf32>
    %reduce_sum3A_60 = vector.shape_cast %reduce_sum3A_59 : vector<1xf32> to vector<1x1x1xf32>
    %reduce_sum3A_61 = vector.extract %reduce_sum3A_60[0, 0, 0] : f32 from vector<1x1x1xf32>
    %eq3A_62 = arith.constant 5 : i32
    %eq3A_63 = vector.broadcast %eq3A_62 : i32 to vector<782x128xi32>
    %eq3A_64 = arith.cmpi eq, %get3A_1, %eq3A_63 : vector<782x128xi32>
    %jit3A_65 = arith.constant 1.000000e+00 : f32
    %jit3A_66 = arith.constant 0.000000e+00 : f32
    %broadcast_in_dim3A_67 = vector.broadcast %jit3A_65 : f32 to vector<782x128xf32>
    %broadcast_in_dim3A_68 = vector.broadcast %jit3A_66 : f32 to vector<782x128xf32>
    %select_n3A_69 = arith.select %eq3A_64, %broadcast_in_dim3A_67, %broadcast_in_dim3A_68 : vector<782x128xi1>, vector<782x128xf32>
    %reduce_sum3A_70 = vector.shape_cast %select_n3A_69 : vector<782x128xf32> to vector<1x782x128xf32>
    %reduce_sum3A_71 = arith.constant dense<0.000000e+00> : vector<1xf32>
    %reduce_sum3A_72 = vector.multi_reduction <add>, %reduce_sum3A_70, %reduce_sum3A_71 [1, 2] : vector<1x782x128xf32> to vector<1xf32>
    %reduce_sum3A_73 = vector.shape_cast %reduce_sum3A_72 : vector<1xf32> to vector<1x1x1xf32>
    %reduce_sum3A_74 = vector.extract %reduce_sum3A_73[0, 0, 0] : f32 from vector<1x1x1xf32>
    %eq3A_75 = arith.constant 6 : i32
    %eq3A_76 = vector.broadcast %eq3A_75 : i32 to vector<782x128xi32>
    %eq3A_77 = arith.cmpi eq, %get3A_1, %eq3A_76 : vector<782x128xi32>
    %jit3A_78 = arith.constant 1.000000e+00 : f32
    %jit3A_79 = arith.constant 0.000000e+00 : f32
    %broadcast_in_dim3A_80 = vector.broadcast %jit3A_78 : f32 to vector<782x128xf32>
    %broadcast_in_dim3A_81 = vector.broadcast %jit3A_79 : f32 to vector<782x128xf32>
    %select_n3A_82 = arith.select %eq3A_77, %broadcast_in_dim3A_80, %broadcast_in_dim3A_81 : vector<782x128xi1>, vector<782x128xf32>
    %reduce_sum3A_83 = vector.shape_cast %select_n3A_82 : vector<782x128xf32> to vector<1x782x128xf32>
    %reduce_sum3A_84 = arith.constant dense<0.000000e+00> : vector<1xf32>
    %reduce_sum3A_85 = vector.multi_reduction <add>, %reduce_sum3A_83, %reduce_sum3A_84 [1, 2] : vector<1x782x128xf32> to vector<1xf32>
    %reduce_sum3A_86 = vector.shape_cast %reduce_sum3A_85 : vector<1xf32> to vector<1x1x1xf32>
    %reduce_sum3A_87 = vector.extract %reduce_sum3A_86[0, 0, 0] : f32 from vector<1x1x1xf32>
    %eq3A_88 = arith.constant 7 : i32
    %eq3A_89 = vector.broadcast %eq3A_88 : i32 to vector<782x128xi32>
    %eq3A_90 = arith.cmpi eq, %get3A_1, %eq3A_89 : vector<782x128xi32>
    %jit3A_91 = arith.constant 1.000000e+00 : f32
    %jit3A_92 = arith.constant 0.000000e+00 : f32
    %broadcast_in_dim3A_93 = vector.broadcast %jit3A_91 : f32 to vector<782x128xf32>
    %broadcast_in_dim3A_94 = vector.broadcast %jit3A_92 : f32 to vector<782x128xf32>
    %select_n3A_95 = arith.select %eq3A_90, %broadcast_in_dim3A_93, %broadcast_in_dim3A_94 : vector<782x128xi1>, vector<782x128xf32>
    %reduce_sum3A_96 = vector.shape_cast %select_n3A_95 : vector<782x128xf32> to vector<1x782x128xf32>
    %reduce_sum3A_97 = arith.constant dense<0.000000e+00> : vector<1xf32>
    %reduce_sum3A_98 = vector.multi_reduction <add>, %reduce_sum3A_96, %reduce_sum3A_97 [1, 2] : vector<1x782x128xf32> to vector<1xf32>
    %reduce_sum3A_99 = vector.shape_cast %reduce_sum3A_98 : vector<1xf32> to vector<1x1x1xf32>
    %reduce_sum3A_100 = vector.extract %reduce_sum3A_99[0, 0, 0] : f32 from vector<1x1x1xf32>
    %eq3A_101 = arith.constant 8 : i32
    %eq3A_102 = vector.broadcast %eq3A_101 : i32 to vector<782x128xi32>
    %eq3A_103 = arith.cmpi eq, %get3A_1, %eq3A_102 : vector<782x128xi32>
    %jit3A_104 = arith.constant 1.000000e+00 : f32
    %jit3A_105 = arith.constant 0.000000e+00 : f32
    %broadcast_in_dim3A_106 = vector.broadcast %jit3A_104 : f32 to vector<782x128xf32>
    %broadcast_in_dim3A_107 = vector.broadcast %jit3A_105 : f32 to vector<782x128xf32>
    %select_n3A_108 = arith.select %eq3A_103, %broadcast_in_dim3A_106, %broadcast_in_dim3A_107 : vector<782x128xi1>, vector<782x128xf32>
    %reduce_sum3A_109 = vector.shape_cast %select_n3A_108 : vector<782x128xf32> to vector<1x782x128xf32>
    %reduce_sum3A_110 = arith.constant dense<0.000000e+00> : vector<1xf32>
    %reduce_sum3A_111 = vector.multi_reduction <add>, %reduce_sum3A_109, %reduce_sum3A_110 [1, 2] : vector<1x782x128xf32> to vector<1xf32>
    %reduce_sum3A_112 = vector.shape_cast %reduce_sum3A_111 : vector<1xf32> to vector<1x1x1xf32>
    %reduce_sum3A_113 = vector.extract %reduce_sum3A_112[0, 0, 0] : f32 from vector<1x1x1xf32>
    %eq3A_114 = arith.constant 9 : i32
    %eq3A_115 = vector.broadcast %eq3A_114 : i32 to vector<782x128xi32>
    %eq3A_116 = arith.cmpi eq, %get3A_1, %eq3A_115 : vector<782x128xi32>
    %jit3A_117 = arith.constant 1.000000e+00 : f32
    %jit3A_118 = arith.constant 0.000000e+00 : f32
    %broadcast_in_dim3A_119 = vector.broadcast %jit3A_117 : f32 to vector<782x128xf32>
    %broadcast_in_dim3A_120 = vector.broadcast %jit3A_118 : f32 to vector<782x128xf32>
    %select_n3A_121 = arith.select %eq3A_116, %broadcast_in_dim3A_119, %broadcast_in_dim3A_120 : vector<782x128xi1>, vector<782x128xf32>
    %reduce_sum3A_122 = vector.shape_cast %select_n3A_121 : vector<782x128xf32> to vector<1x782x128xf32>
    %reduce_sum3A_123 = arith.constant dense<0.000000e+00> : vector<1xf32>
    %reduce_sum3A_124 = vector.multi_reduction <add>, %reduce_sum3A_122, %reduce_sum3A_123 [1, 2] : vector<1x782x128xf32> to vector<1xf32>
    %reduce_sum3A_125 = vector.shape_cast %reduce_sum3A_124 : vector<1xf32> to vector<1x1x1xf32>
    %reduce_sum3A_126 = vector.extract %reduce_sum3A_125[0, 0, 0] : f32 from vector<1x1x1xf32>
    %eq3A_127 = arith.constant 10 : i32
    %eq3A_128 = vector.broadcast %eq3A_127 : i32 to vector<782x128xi32>
    %eq3A_129 = arith.cmpi eq, %get3A_1, %eq3A_128 : vector<782x128xi32>
    %jit3A_130 = arith.constant 1.000000e+00 : f32
    %jit3A_131 = arith.constant 0.000000e+00 : f32
    %broadcast_in_dim3A_132 = vector.broadcast %jit3A_130 : f32 to vector<782x128xf32>
    %broadcast_in_dim3A_133 = vector.broadcast %jit3A_131 : f32 to vector<782x128xf32>
    %select_n3A_134 = arith.select %eq3A_129, %broadcast_in_dim3A_132, %broadcast_in_dim3A_133 : vector<782x128xi1>, vector<782x128xf32>
    %reduce_sum3A_135 = vector.shape_cast %select_n3A_134 : vector<782x128xf32> to vector<1x782x128xf32>
    %reduce_sum3A_136 = arith.constant dense<0.000000e+00> : vector<1xf32>
    %reduce_sum3A_137 = vector.multi_reduction <add>, %reduce_sum3A_135, %reduce_sum3A_136 [1, 2] : vector<1x782x128xf32> to vector<1xf32>
    %reduce_sum3A_138 = vector.shape_cast %reduce_sum3A_137 : vector<1xf32> to vector<1x1x1xf32>
    %reduce_sum3A_139 = vector.extract %reduce_sum3A_138[0, 0, 0] : f32 from vector<1x1x1xf32>
    %eq3A_140 = arith.constant 11 : i32
    %eq3A_141 = vector.broadcast %eq3A_140 : i32 to vector<782x128xi32>
    %eq3A_142 = arith.cmpi eq, %get3A_1, %eq3A_141 : vector<782x128xi32>
    %jit3A_143 = arith.constant 1.000000e+00 : f32
    %jit3A_144 = arith.constant 0.000000e+00 : f32
    %broadcast_in_dim3A_145 = vector.broadcast %jit3A_143 : f32 to vector<782x128xf32>
    %broadcast_in_dim3A_146 = vector.broadcast %jit3A_144 : f32 to vector<782x128xf32>
    %select_n3A_147 = arith.select %eq3A_142, %broadcast_in_dim3A_145, %broadcast_in_dim3A_146 : vector<782x128xi1>, vector<782x128xf32>
    %reduce_sum3A_148 = vector.shape_cast %select_n3A_147 : vector<782x128xf32> to vector<1x782x128xf32>
    %reduce_sum3A_149 = arith.constant dense<0.000000e+00> : vector<1xf32>
    %reduce_sum3A_150 = vector.multi_reduction <add>, %reduce_sum3A_148, %reduce_sum3A_149 [1, 2] : vector<1x782x128xf32> to vector<1xf32>
    %reduce_sum3A_151 = vector.shape_cast %reduce_sum3A_150 : vector<1xf32> to vector<1x1x1xf32>
    %reduce_sum3A_152 = vector.extract %reduce_sum3A_151[0, 0, 0] : f32 from vector<1x1x1xf32>
    %eq3A_153 = arith.constant 12 : i32
    %eq3A_154 = vector.broadcast %eq3A_153 : i32 to vector<782x128xi32>
    %eq3A_155 = arith.cmpi eq, %get3A_1, %eq3A_154 : vector<782x128xi32>
    %jit3A_156 = arith.constant 1.000000e+00 : f32
    %jit3A_157 = arith.constant 0.000000e+00 : f32
    %broadcast_in_dim3A_158 = vector.broadcast %jit3A_156 : f32 to vector<782x128xf32>
    %broadcast_in_dim3A_159 = vector.broadcast %jit3A_157 : f32 to vector<782x128xf32>
    %select_n3A_160 = arith.select %eq3A_155, %broadcast_in_dim3A_158, %broadcast_in_dim3A_159 : vector<782x128xi1>, vector<782x128xf32>
    %reduce_sum3A_161 = vector.shape_cast %select_n3A_160 : vector<782x128xf32> to vector<1x782x128xf32>
    %reduce_sum3A_162 = arith.constant dense<0.000000e+00> : vector<1xf32>
    %reduce_sum3A_163 = vector.multi_reduction <add>, %reduce_sum3A_161, %reduce_sum3A_162 [1, 2] : vector<1x782x128xf32> to vector<1xf32>
    %reduce_sum3A_164 = vector.shape_cast %reduce_sum3A_163 : vector<1xf32> to vector<1x1x1xf32>
    %reduce_sum3A_165 = vector.extract %reduce_sum3A_164[0, 0, 0] : f32 from vector<1x1x1xf32>
    %eq3A_166 = arith.constant 13 : i32
    %eq3A_167 = vector.broadcast %eq3A_166 : i32 to vector<782x128xi32>
    %eq3A_168 = arith.cmpi eq, %get3A_1, %eq3A_167 : vector<782x128xi32>
    %jit3A_169 = arith.constant 1.000000e+00 : f32
    %jit3A_170 = arith.constant 0.000000e+00 : f32
    %broadcast_in_dim3A_171 = vector.broadcast %jit3A_169 : f32 to vector<782x128xf32>
    %broadcast_in_dim3A_172 = vector.broadcast %jit3A_170 : f32 to vector<782x128xf32>
    %select_n3A_173 = arith.select %eq3A_168, %broadcast_in_dim3A_171, %broadcast_in_dim3A_172 : vector<782x128xi1>, vector<782x128xf32>
    %reduce_sum3A_174 = vector.shape_cast %select_n3A_173 : vector<782x128xf32> to vector<1x782x128xf32>
    %reduce_sum3A_175 = arith.constant dense<0.000000e+00> : vector<1xf32>
    %reduce_sum3A_176 = vector.multi_reduction <add>, %reduce_sum3A_174, %reduce_sum3A_175 [1, 2] : vector<1x782x128xf32> to vector<1xf32>
    %reduce_sum3A_177 = vector.shape_cast %reduce_sum3A_176 : vector<1xf32> to vector<1x1x1xf32>
    %reduce_sum3A_178 = vector.extract %reduce_sum3A_177[0, 0, 0] : f32 from vector<1x1x1xf32>
    %eq3A_179 = arith.constant 14 : i32
    %eq3A_180 = vector.broadcast %eq3A_179 : i32 to vector<782x128xi32>
    %eq3A_181 = arith.cmpi eq, %get3A_1, %eq3A_180 : vector<782x128xi32>
    %jit3A_182 = arith.constant 1.000000e+00 : f32
    %jit3A_183 = arith.constant 0.000000e+00 : f32
    %broadcast_in_dim3A_184 = vector.broadcast %jit3A_182 : f32 to vector<782x128xf32>
    %broadcast_in_dim3A_185 = vector.broadcast %jit3A_183 : f32 to vector<782x128xf32>
    %select_n3A_186 = arith.select %eq3A_181, %broadcast_in_dim3A_184, %broadcast_in_dim3A_185 : vector<782x128xi1>, vector<782x128xf32>
    %reduce_sum3A_187 = vector.shape_cast %select_n3A_186 : vector<782x128xf32> to vector<1x782x128xf32>
    %reduce_sum3A_188 = arith.constant dense<0.000000e+00> : vector<1xf32>
    %reduce_sum3A_189 = vector.multi_reduction <add>, %reduce_sum3A_187, %reduce_sum3A_188 [1, 2] : vector<1x782x128xf32> to vector<1xf32>
    %reduce_sum3A_190 = vector.shape_cast %reduce_sum3A_189 : vector<1xf32> to vector<1x1x1xf32>
    %reduce_sum3A_191 = vector.extract %reduce_sum3A_190[0, 0, 0] : f32 from vector<1x1x1xf32>
    %eq3A_192 = arith.constant 15 : i32
    %eq3A_193 = vector.broadcast %eq3A_192 : i32 to vector<782x128xi32>
    %eq3A_194 = arith.cmpi eq, %get3A_1, %eq3A_193 : vector<782x128xi32>
    %jit3A_195 = arith.constant 1.000000e+00 : f32
    %jit3A_196 = arith.constant 0.000000e+00 : f32
    %broadcast_in_dim3A_197 = vector.broadcast %jit3A_195 : f32 to vector<782x128xf32>
    %broadcast_in_dim3A_198 = vector.broadcast %jit3A_196 : f32 to vector<782x128xf32>
    %select_n3A_199 = arith.select %eq3A_194, %broadcast_in_dim3A_197, %broadcast_in_dim3A_198 : vector<782x128xi1>, vector<782x128xf32>
    %reduce_sum3A_200 = vector.shape_cast %select_n3A_199 : vector<782x128xf32> to vector<1x782x128xf32>
    %reduce_sum3A_201 = arith.constant dense<0.000000e+00> : vector<1xf32>
    %reduce_sum3A_202 = vector.multi_reduction <add>, %reduce_sum3A_200, %reduce_sum3A_201 [1, 2] : vector<1x782x128xf32> to vector<1xf32>
    %reduce_sum3A_203 = vector.shape_cast %reduce_sum3A_202 : vector<1xf32> to vector<1x1x1xf32>
    %reduce_sum3A_204 = vector.extract %reduce_sum3A_203[0, 0, 0] : f32 from vector<1x1x1xf32>
    %eq3A_205 = arith.constant 16 : i32
    %eq3A_206 = vector.broadcast %eq3A_205 : i32 to vector<782x128xi32>
    %eq3A_207 = arith.cmpi eq, %get3A_1, %eq3A_206 : vector<782x128xi32>
    %jit3A_208 = arith.constant 1.000000e+00 : f32
    %jit3A_209 = arith.constant 0.000000e+00 : f32
    %broadcast_in_dim3A_210 = vector.broadcast %jit3A_208 : f32 to vector<782x128xf32>
    %broadcast_in_dim3A_211 = vector.broadcast %jit3A_209 : f32 to vector<782x128xf32>
    %select_n3A_212 = arith.select %eq3A_207, %broadcast_in_dim3A_210, %broadcast_in_dim3A_211 : vector<782x128xi1>, vector<782x128xf32>
    %reduce_sum3A_213 = vector.shape_cast %select_n3A_212 : vector<782x128xf32> to vector<1x782x128xf32>
    %reduce_sum3A_214 = arith.constant dense<0.000000e+00> : vector<1xf32>
    %reduce_sum3A_215 = vector.multi_reduction <add>, %reduce_sum3A_213, %reduce_sum3A_214 [1, 2] : vector<1x782x128xf32> to vector<1xf32>
    %reduce_sum3A_216 = vector.shape_cast %reduce_sum3A_215 : vector<1xf32> to vector<1x1x1xf32>
    %reduce_sum3A_217 = vector.extract %reduce_sum3A_216[0, 0, 0] : f32 from vector<1x1x1xf32>
    %eq3A_218 = arith.constant 17 : i32
    %eq3A_219 = vector.broadcast %eq3A_218 : i32 to vector<782x128xi32>
    %eq3A_220 = arith.cmpi eq, %get3A_1, %eq3A_219 : vector<782x128xi32>
    %jit3A_221 = arith.constant 1.000000e+00 : f32
    %jit3A_222 = arith.constant 0.000000e+00 : f32
    %broadcast_in_dim3A_223 = vector.broadcast %jit3A_221 : f32 to vector<782x128xf32>
    %broadcast_in_dim3A_224 = vector.broadcast %jit3A_222 : f32 to vector<782x128xf32>
    %select_n3A_225 = arith.select %eq3A_220, %broadcast_in_dim3A_223, %broadcast_in_dim3A_224 : vector<782x128xi1>, vector<782x128xf32>
    %reduce_sum3A_226 = vector.shape_cast %select_n3A_225 : vector<782x128xf32> to vector<1x782x128xf32>
    %reduce_sum3A_227 = arith.constant dense<0.000000e+00> : vector<1xf32>
    %reduce_sum3A_228 = vector.multi_reduction <add>, %reduce_sum3A_226, %reduce_sum3A_227 [1, 2] : vector<1x782x128xf32> to vector<1xf32>
    %reduce_sum3A_229 = vector.shape_cast %reduce_sum3A_228 : vector<1xf32> to vector<1x1x1xf32>
    %reduce_sum3A_230 = vector.extract %reduce_sum3A_229[0, 0, 0] : f32 from vector<1x1x1xf32>
    %eq3A_231 = arith.constant 18 : i32
    %eq3A_232 = vector.broadcast %eq3A_231 : i32 to vector<782x128xi32>
    %eq3A_233 = arith.cmpi eq, %get3A_1, %eq3A_232 : vector<782x128xi32>
    %jit3A_234 = arith.constant 1.000000e+00 : f32
    %jit3A_235 = arith.constant 0.000000e+00 : f32
    %broadcast_in_dim3A_236 = vector.broadcast %jit3A_234 : f32 to vector<782x128xf32>
    %broadcast_in_dim3A_237 = vector.broadcast %jit3A_235 : f32 to vector<782x128xf32>
    %select_n3A_238 = arith.select %eq3A_233, %broadcast_in_dim3A_236, %broadcast_in_dim3A_237 : vector<782x128xi1>, vector<782x128xf32>
    %reduce_sum3A_239 = vector.shape_cast %select_n3A_238 : vector<782x128xf32> to vector<1x782x128xf32>
    %reduce_sum3A_240 = arith.constant dense<0.000000e+00> : vector<1xf32>
    %reduce_sum3A_241 = vector.multi_reduction <add>, %reduce_sum3A_239, %reduce_sum3A_240 [1, 2] : vector<1x782x128xf32> to vector<1xf32>
    %reduce_sum3A_242 = vector.shape_cast %reduce_sum3A_241 : vector<1xf32> to vector<1x1x1xf32>
    %reduce_sum3A_243 = vector.extract %reduce_sum3A_242[0, 0, 0] : f32 from vector<1x1x1xf32>
    %eq3A_244 = arith.constant 19 : i32
    %eq3A_245 = vector.broadcast %eq3A_244 : i32 to vector<782x128xi32>
    %eq3A_246 = arith.cmpi eq, %get3A_1, %eq3A_245 : vector<782x128xi32>
    %jit3A_247 = arith.constant 1.000000e+00 : f32
    %jit3A_248 = arith.constant 0.000000e+00 : f32
    %broadcast_in_dim3A_249 = vector.broadcast %jit3A_247 : f32 to vector<782x128xf32>
    %broadcast_in_dim3A_250 = vector.broadcast %jit3A_248 : f32 to vector<782x128xf32>
    %select_n3A_251 = arith.select %eq3A_246, %broadcast_in_dim3A_249, %broadcast_in_dim3A_250 : vector<782x128xi1>, vector<782x128xf32>
    %reduce_sum3A_252 = vector.shape_cast %select_n3A_251 : vector<782x128xf32> to vector<1x782x128xf32>
    %reduce_sum3A_253 = arith.constant dense<0.000000e+00> : vector<1xf32>
    %reduce_sum3A_254 = vector.multi_reduction <add>, %reduce_sum3A_252, %reduce_sum3A_253 [1, 2] : vector<1x782x128xf32> to vector<1xf32>
    %reduce_sum3A_255 = vector.shape_cast %reduce_sum3A_254 : vector<1xf32> to vector<1x1x1xf32>
    %reduce_sum3A_256 = vector.extract %reduce_sum3A_255[0, 0, 0] : f32 from vector<1x1x1xf32>
    %eq3A_257 = arith.constant 20 : i32
    %eq3A_258 = vector.broadcast %eq3A_257 : i32 to vector<782x128xi32>
    %eq3A_259 = arith.cmpi eq, %get3A_1, %eq3A_258 : vector<782x128xi32>
    %jit3A_260 = arith.constant 1.000000e+00 : f32
    %jit3A_261 = arith.constant 0.000000e+00 : f32
    %broadcast_in_dim3A_262 = vector.broadcast %jit3A_260 : f32 to vector<782x128xf32>
    %broadcast_in_dim3A_263 = vector.broadcast %jit3A_261 : f32 to vector<782x128xf32>
    %select_n3A_264 = arith.select %eq3A_259, %broadcast_in_dim3A_262, %broadcast_in_dim3A_263 : vector<782x128xi1>, vector<782x128xf32>
    %reduce_sum3A_265 = vector.shape_cast %select_n3A_264 : vector<782x128xf32> to vector<1x782x128xf32>
    %reduce_sum3A_266 = arith.constant dense<0.000000e+00> : vector<1xf32>
    %reduce_sum3A_267 = vector.multi_reduction <add>, %reduce_sum3A_265, %reduce_sum3A_266 [1, 2] : vector<1x782x128xf32> to vector<1xf32>
    %reduce_sum3A_268 = vector.shape_cast %reduce_sum3A_267 : vector<1xf32> to vector<1x1x1xf32>
    %reduce_sum3A_269 = vector.extract %reduce_sum3A_268[0, 0, 0] : f32 from vector<1x1x1xf32>
    %eq3A_270 = arith.constant 21 : i32
    %eq3A_271 = vector.broadcast %eq3A_270 : i32 to vector<782x128xi32>
    %eq3A_272 = arith.cmpi eq, %get3A_1, %eq3A_271 : vector<782x128xi32>
    %jit3A_273 = arith.constant 1.000000e+00 : f32
    %jit3A_274 = arith.constant 0.000000e+00 : f32
    %broadcast_in_dim3A_275 = vector.broadcast %jit3A_273 : f32 to vector<782x128xf32>
    %broadcast_in_dim3A_276 = vector.broadcast %jit3A_274 : f32 to vector<782x128xf32>
    %select_n3A_277 = arith.select %eq3A_272, %broadcast_in_dim3A_275, %broadcast_in_dim3A_276 : vector<782x128xi1>, vector<782x128xf32>
    %reduce_sum3A_278 = vector.shape_cast %select_n3A_277 : vector<782x128xf32> to vector<1x782x128xf32>
    %reduce_sum3A_279 = arith.constant dense<0.000000e+00> : vector<1xf32>
    %reduce_sum3A_280 = vector.multi_reduction <add>, %reduce_sum3A_278, %reduce_sum3A_279 [1, 2] : vector<1x782x128xf32> to vector<1xf32>
    %reduce_sum3A_281 = vector.shape_cast %reduce_sum3A_280 : vector<1xf32> to vector<1x1x1xf32>
    %reduce_sum3A_282 = vector.extract %reduce_sum3A_281[0, 0, 0] : f32 from vector<1x1x1xf32>
    %eq3A_283 = arith.constant 22 : i32
    %eq3A_284 = vector.broadcast %eq3A_283 : i32 to vector<782x128xi32>
    %eq3A_285 = arith.cmpi eq, %get3A_1, %eq3A_284 : vector<782x128xi32>
    %jit3A_286 = arith.constant 1.000000e+00 : f32
    %jit3A_287 = arith.constant 0.000000e+00 : f32
    %broadcast_in_dim3A_288 = vector.broadcast %jit3A_286 : f32 to vector<782x128xf32>
    %broadcast_in_dim3A_289 = vector.broadcast %jit3A_287 : f32 to vector<782x128xf32>
    %select_n3A_290 = arith.select %eq3A_285, %broadcast_in_dim3A_288, %broadcast_in_dim3A_289 : vector<782x128xi1>, vector<782x128xf32>
    %reduce_sum3A_291 = vector.shape_cast %select_n3A_290 : vector<782x128xf32> to vector<1x782x128xf32>
    %reduce_sum3A_292 = arith.constant dense<0.000000e+00> : vector<1xf32>
    %reduce_sum3A_293 = vector.multi_reduction <add>, %reduce_sum3A_291, %reduce_sum3A_292 [1, 2] : vector<1x782x128xf32> to vector<1xf32>
    %reduce_sum3A_294 = vector.shape_cast %reduce_sum3A_293 : vector<1xf32> to vector<1x1x1xf32>
    %reduce_sum3A_295 = vector.extract %reduce_sum3A_294[0, 0, 0] : f32 from vector<1x1x1xf32>
    %eq3A_296 = arith.constant 23 : i32
    %eq3A_297 = vector.broadcast %eq3A_296 : i32 to vector<782x128xi32>
    %eq3A_298 = arith.cmpi eq, %get3A_1, %eq3A_297 : vector<782x128xi32>
    %jit3A_299 = arith.constant 1.000000e+00 : f32
    %jit3A_300 = arith.constant 0.000000e+00 : f32
    %broadcast_in_dim3A_301 = vector.broadcast %jit3A_299 : f32 to vector<782x128xf32>
    %broadcast_in_dim3A_302 = vector.broadcast %jit3A_300 : f32 to vector<782x128xf32>
    %select_n3A_303 = arith.select %eq3A_298, %broadcast_in_dim3A_301, %broadcast_in_dim3A_302 : vector<782x128xi1>, vector<782x128xf32>
    %reduce_sum3A_304 = vector.shape_cast %select_n3A_303 : vector<782x128xf32> to vector<1x782x128xf32>
    %reduce_sum3A_305 = arith.constant dense<0.000000e+00> : vector<1xf32>
    %reduce_sum3A_306 = vector.multi_reduction <add>, %reduce_sum3A_304, %reduce_sum3A_305 [1, 2] : vector<1x782x128xf32> to vector<1xf32>
    %reduce_sum3A_307 = vector.shape_cast %reduce_sum3A_306 : vector<1xf32> to vector<1x1x1xf32>
    %reduce_sum3A_308 = vector.extract %reduce_sum3A_307[0, 0, 0] : f32 from vector<1x1x1xf32>
    %eq3A_309 = arith.constant 24 : i32
    %eq3A_310 = vector.broadcast %eq3A_309 : i32 to vector<782x128xi32>
    %eq3A_311 = arith.cmpi eq, %get3A_1, %eq3A_310 : vector<782x128xi32>
    %jit3A_312 = arith.constant 1.000000e+00 : f32
    %jit3A_313 = arith.constant 0.000000e+00 : f32
    %broadcast_in_dim3A_314 = vector.broadcast %jit3A_312 : f32 to vector<782x128xf32>
    %broadcast_in_dim3A_315 = vector.broadcast %jit3A_313 : f32 to vector<782x128xf32>
    %select_n3A_316 = arith.select %eq3A_311, %broadcast_in_dim3A_314, %broadcast_in_dim3A_315 : vector<782x128xi1>, vector<782x128xf32>
    %reduce_sum3A_317 = vector.shape_cast %select_n3A_316 : vector<782x128xf32> to vector<1x782x128xf32>
    %reduce_sum3A_318 = arith.constant dense<0.000000e+00> : vector<1xf32>
    %reduce_sum3A_319 = vector.multi_reduction <add>, %reduce_sum3A_317, %reduce_sum3A_318 [1, 2] : vector<1x782x128xf32> to vector<1xf32>
    %reduce_sum3A_320 = vector.shape_cast %reduce_sum3A_319 : vector<1xf32> to vector<1x1x1xf32>
    %reduce_sum3A_321 = vector.extract %reduce_sum3A_320[0, 0, 0] : f32 from vector<1x1x1xf32>
    %eq3A_322 = arith.constant 25 : i32
    %eq3A_323 = vector.broadcast %eq3A_322 : i32 to vector<782x128xi32>
    %eq3A_324 = arith.cmpi eq, %get3A_1, %eq3A_323 : vector<782x128xi32>
    %jit3A_325 = arith.constant 1.000000e+00 : f32
    %jit3A_326 = arith.constant 0.000000e+00 : f32
    %broadcast_in_dim3A_327 = vector.broadcast %jit3A_325 : f32 to vector<782x128xf32>
    %broadcast_in_dim3A_328 = vector.broadcast %jit3A_326 : f32 to vector<782x128xf32>
    %select_n3A_329 = arith.select %eq3A_324, %broadcast_in_dim3A_327, %broadcast_in_dim3A_328 : vector<782x128xi1>, vector<782x128xf32>
    %reduce_sum3A_330 = vector.shape_cast %select_n3A_329 : vector<782x128xf32> to vector<1x782x128xf32>
    %reduce_sum3A_331 = arith.constant dense<0.000000e+00> : vector<1xf32>
    %reduce_sum3A_332 = vector.multi_reduction <add>, %reduce_sum3A_330, %reduce_sum3A_331 [1, 2] : vector<1x782x128xf32> to vector<1xf32>
    %reduce_sum3A_333 = vector.shape_cast %reduce_sum3A_332 : vector<1xf32> to vector<1x1x1xf32>
    %reduce_sum3A_334 = vector.extract %reduce_sum3A_333[0, 0, 0] : f32 from vector<1x1x1xf32>
    %eq3A_335 = arith.constant 26 : i32
    %eq3A_336 = vector.broadcast %eq3A_335 : i32 to vector<782x128xi32>
    %eq3A_337 = arith.cmpi eq, %get3A_1, %eq3A_336 : vector<782x128xi32>
    %jit3A_338 = arith.constant 1.000000e+00 : f32
    %jit3A_339 = arith.constant 0.000000e+00 : f32
    %broadcast_in_dim3A_340 = vector.broadcast %jit3A_338 : f32 to vector<782x128xf32>
    %broadcast_in_dim3A_341 = vector.broadcast %jit3A_339 : f32 to vector<782x128xf32>
    %select_n3A_342 = arith.select %eq3A_337, %broadcast_in_dim3A_340, %broadcast_in_dim3A_341 : vector<782x128xi1>, vector<782x128xf32>
    %reduce_sum3A_343 = vector.shape_cast %select_n3A_342 : vector<782x128xf32> to vector<1x782x128xf32>
    %reduce_sum3A_344 = arith.constant dense<0.000000e+00> : vector<1xf32>
    %reduce_sum3A_345 = vector.multi_reduction <add>, %reduce_sum3A_343, %reduce_sum3A_344 [1, 2] : vector<1x782x128xf32> to vector<1xf32>
    %reduce_sum3A_346 = vector.shape_cast %reduce_sum3A_345 : vector<1xf32> to vector<1x1x1xf32>
    %reduce_sum3A_347 = vector.extract %reduce_sum3A_346[0, 0, 0] : f32 from vector<1x1x1xf32>
    %eq3A_348 = arith.constant 27 : i32
    %eq3A_349 = vector.broadcast %eq3A_348 : i32 to vector<782x128xi32>
    %eq3A_350 = arith.cmpi eq, %get3A_1, %eq3A_349 : vector<782x128xi32>
    %jit3A_351 = arith.constant 1.000000e+00 : f32
    %jit3A_352 = arith.constant 0.000000e+00 : f32
    %broadcast_in_dim3A_353 = vector.broadcast %jit3A_351 : f32 to vector<782x128xf32>
    %broadcast_in_dim3A_354 = vector.broadcast %jit3A_352 : f32 to vector<782x128xf32>
    %select_n3A_355 = arith.select %eq3A_350, %broadcast_in_dim3A_353, %broadcast_in_dim3A_354 : vector<782x128xi1>, vector<782x128xf32>
    %reduce_sum3A_356 = vector.shape_cast %select_n3A_355 : vector<782x128xf32> to vector<1x782x128xf32>
    %reduce_sum3A_357 = arith.constant dense<0.000000e+00> : vector<1xf32>
    %reduce_sum3A_358 = vector.multi_reduction <add>, %reduce_sum3A_356, %reduce_sum3A_357 [1, 2] : vector<1x782x128xf32> to vector<1xf32>
    %reduce_sum3A_359 = vector.shape_cast %reduce_sum3A_358 : vector<1xf32> to vector<1x1x1xf32>
    %reduce_sum3A_360 = vector.extract %reduce_sum3A_359[0, 0, 0] : f32 from vector<1x1x1xf32>
    %eq3A_361 = arith.constant 28 : i32
    %eq3A_362 = vector.broadcast %eq3A_361 : i32 to vector<782x128xi32>
    %eq3A_363 = arith.cmpi eq, %get3A_1, %eq3A_362 : vector<782x128xi32>
    %jit3A_364 = arith.constant 1.000000e+00 : f32
    %jit3A_365 = arith.constant 0.000000e+00 : f32
    %broadcast_in_dim3A_366 = vector.broadcast %jit3A_364 : f32 to vector<782x128xf32>
    %broadcast_in_dim3A_367 = vector.broadcast %jit3A_365 : f32 to vector<782x128xf32>
    %select_n3A_368 = arith.select %eq3A_363, %broadcast_in_dim3A_366, %broadcast_in_dim3A_367 : vector<782x128xi1>, vector<782x128xf32>
    %reduce_sum3A_369 = vector.shape_cast %select_n3A_368 : vector<782x128xf32> to vector<1x782x128xf32>
    %reduce_sum3A_370 = arith.constant dense<0.000000e+00> : vector<1xf32>
    %reduce_sum3A_371 = vector.multi_reduction <add>, %reduce_sum3A_369, %reduce_sum3A_370 [1, 2] : vector<1x782x128xf32> to vector<1xf32>
    %reduce_sum3A_372 = vector.shape_cast %reduce_sum3A_371 : vector<1xf32> to vector<1x1x1xf32>
    %reduce_sum3A_373 = vector.extract %reduce_sum3A_372[0, 0, 0] : f32 from vector<1x1x1xf32>
    %eq3A_374 = arith.constant 29 : i32
    %eq3A_375 = vector.broadcast %eq3A_374 : i32 to vector<782x128xi32>
    %eq3A_376 = arith.cmpi eq, %get3A_1, %eq3A_375 : vector<782x128xi32>
    %jit3A_377 = arith.constant 1.000000e+00 : f32
    %jit3A_378 = arith.constant 0.000000e+00 : f32
    %broadcast_in_dim3A_379 = vector.broadcast %jit3A_377 : f32 to vector<782x128xf32>
    %broadcast_in_dim3A_380 = vector.broadcast %jit3A_378 : f32 to vector<782x128xf32>
    %select_n3A_381 = arith.select %eq3A_376, %broadcast_in_dim3A_379, %broadcast_in_dim3A_380 : vector<782x128xi1>, vector<782x128xf32>
    %reduce_sum3A_382 = vector.shape_cast %select_n3A_381 : vector<782x128xf32> to vector<1x782x128xf32>
    %reduce_sum3A_383 = arith.constant dense<0.000000e+00> : vector<1xf32>
    %reduce_sum3A_384 = vector.multi_reduction <add>, %reduce_sum3A_382, %reduce_sum3A_383 [1, 2] : vector<1x782x128xf32> to vector<1xf32>
    %reduce_sum3A_385 = vector.shape_cast %reduce_sum3A_384 : vector<1xf32> to vector<1x1x1xf32>
    %reduce_sum3A_386 = vector.extract %reduce_sum3A_385[0, 0, 0] : f32 from vector<1x1x1xf32>
    %eq3A_387 = arith.constant 30 : i32
    %eq3A_388 = vector.broadcast %eq3A_387 : i32 to vector<782x128xi32>
    %eq3A_389 = arith.cmpi eq, %get3A_1, %eq3A_388 : vector<782x128xi32>
    %jit3A_390 = arith.constant 1.000000e+00 : f32
    %jit3A_391 = arith.constant 0.000000e+00 : f32
    %broadcast_in_dim3A_392 = vector.broadcast %jit3A_390 : f32 to vector<782x128xf32>
    %broadcast_in_dim3A_393 = vector.broadcast %jit3A_391 : f32 to vector<782x128xf32>
    %select_n3A_394 = arith.select %eq3A_389, %broadcast_in_dim3A_392, %broadcast_in_dim3A_393 : vector<782x128xi1>, vector<782x128xf32>
    %reduce_sum3A_395 = vector.shape_cast %select_n3A_394 : vector<782x128xf32> to vector<1x782x128xf32>
    %reduce_sum3A_396 = arith.constant dense<0.000000e+00> : vector<1xf32>
    %reduce_sum3A_397 = vector.multi_reduction <add>, %reduce_sum3A_395, %reduce_sum3A_396 [1, 2] : vector<1x782x128xf32> to vector<1xf32>
    %reduce_sum3A_398 = vector.shape_cast %reduce_sum3A_397 : vector<1xf32> to vector<1x1x1xf32>
    %reduce_sum3A_399 = vector.extract %reduce_sum3A_398[0, 0, 0] : f32 from vector<1x1x1xf32>
    %eq3A_400 = arith.constant 31 : i32
    %eq3A_401 = vector.broadcast %eq3A_400 : i32 to vector<782x128xi32>
    %eq3A_402 = arith.cmpi eq, %get3A_1, %eq3A_401 : vector<782x128xi32>
    %jit3A_403 = arith.constant 1.000000e+00 : f32
    %jit3A_404 = arith.constant 0.000000e+00 : f32
    %broadcast_in_dim3A_405 = vector.broadcast %jit3A_403 : f32 to vector<782x128xf32>
    %broadcast_in_dim3A_406 = vector.broadcast %jit3A_404 : f32 to vector<782x128xf32>
    %select_n3A_407 = arith.select %eq3A_402, %broadcast_in_dim3A_405, %broadcast_in_dim3A_406 : vector<782x128xi1>, vector<782x128xf32>
    %reduce_sum3A_408 = vector.shape_cast %select_n3A_407 : vector<782x128xf32> to vector<1x782x128xf32>
    %reduce_sum3A_409 = arith.constant dense<0.000000e+00> : vector<1xf32>
    %reduce_sum3A_410 = vector.multi_reduction <add>, %reduce_sum3A_408, %reduce_sum3A_409 [1, 2] : vector<1x782x128xf32> to vector<1xf32>
    %reduce_sum3A_411 = vector.shape_cast %reduce_sum3A_410 : vector<1xf32> to vector<1x1x1xf32>
    %reduce_sum3A_412 = vector.extract %reduce_sum3A_411[0, 0, 0] : f32 from vector<1x1x1xf32>
    %eq3A_413 = arith.constant 32 : i32
    %eq3A_414 = vector.broadcast %eq3A_413 : i32 to vector<782x128xi32>
    %eq3A_415 = arith.cmpi eq, %get3A_1, %eq3A_414 : vector<782x128xi32>
    %jit3A_416 = arith.constant 1.000000e+00 : f32
    %jit3A_417 = arith.constant 0.000000e+00 : f32
    %broadcast_in_dim3A_418 = vector.broadcast %jit3A_416 : f32 to vector<782x128xf32>
    %broadcast_in_dim3A_419 = vector.broadcast %jit3A_417 : f32 to vector<782x128xf32>
    %select_n3A_420 = arith.select %eq3A_415, %broadcast_in_dim3A_418, %broadcast_in_dim3A_419 : vector<782x128xi1>, vector<782x128xf32>
    %reduce_sum3A_421 = vector.shape_cast %select_n3A_420 : vector<782x128xf32> to vector<1x782x128xf32>
    %reduce_sum3A_422 = arith.constant dense<0.000000e+00> : vector<1xf32>
    %reduce_sum3A_423 = vector.multi_reduction <add>, %reduce_sum3A_421, %reduce_sum3A_422 [1, 2] : vector<1x782x128xf32> to vector<1xf32>
    %reduce_sum3A_424 = vector.shape_cast %reduce_sum3A_423 : vector<1xf32> to vector<1x1x1xf32>
    %reduce_sum3A_425 = vector.extract %reduce_sum3A_424[0, 0, 0] : f32 from vector<1x1x1xf32>
    %eq3A_426 = arith.constant 33 : i32
    %eq3A_427 = vector.broadcast %eq3A_426 : i32 to vector<782x128xi32>
    %eq3A_428 = arith.cmpi eq, %get3A_1, %eq3A_427 : vector<782x128xi32>
    %jit3A_429 = arith.constant 1.000000e+00 : f32
    %jit3A_430 = arith.constant 0.000000e+00 : f32
    %broadcast_in_dim3A_431 = vector.broadcast %jit3A_429 : f32 to vector<782x128xf32>
    %broadcast_in_dim3A_432 = vector.broadcast %jit3A_430 : f32 to vector<782x128xf32>
    %select_n3A_433 = arith.select %eq3A_428, %broadcast_in_dim3A_431, %broadcast_in_dim3A_432 : vector<782x128xi1>, vector<782x128xf32>
    %reduce_sum3A_434 = vector.shape_cast %select_n3A_433 : vector<782x128xf32> to vector<1x782x128xf32>
    %reduce_sum3A_435 = arith.constant dense<0.000000e+00> : vector<1xf32>
    %reduce_sum3A_436 = vector.multi_reduction <add>, %reduce_sum3A_434, %reduce_sum3A_435 [1, 2] : vector<1x782x128xf32> to vector<1xf32>
    %reduce_sum3A_437 = vector.shape_cast %reduce_sum3A_436 : vector<1xf32> to vector<1x1x1xf32>
    %reduce_sum3A_438 = vector.extract %reduce_sum3A_437[0, 0, 0] : f32 from vector<1x1x1xf32>
    %eq3A_439 = arith.constant 34 : i32
    %eq3A_440 = vector.broadcast %eq3A_439 : i32 to vector<782x128xi32>
    %eq3A_441 = arith.cmpi eq, %get3A_1, %eq3A_440 : vector<782x128xi32>
    %jit3A_442 = arith.constant 1.000000e+00 : f32
    %jit3A_443 = arith.constant 0.000000e+00 : f32
    %broadcast_in_dim3A_444 = vector.broadcast %jit3A_442 : f32 to vector<782x128xf32>
    %broadcast_in_dim3A_445 = vector.broadcast %jit3A_443 : f32 to vector<782x128xf32>
    %select_n3A_446 = arith.select %eq3A_441, %broadcast_in_dim3A_444, %broadcast_in_dim3A_445 : vector<782x128xi1>, vector<782x128xf32>
    %reduce_sum3A_447 = vector.shape_cast %select_n3A_446 : vector<782x128xf32> to vector<1x782x128xf32>
    %reduce_sum3A_448 = arith.constant dense<0.000000e+00> : vector<1xf32>
    %reduce_sum3A_449 = vector.multi_reduction <add>, %reduce_sum3A_447, %reduce_sum3A_448 [1, 2] : vector<1x782x128xf32> to vector<1xf32>
    %reduce_sum3A_450 = vector.shape_cast %reduce_sum3A_449 : vector<1xf32> to vector<1x1x1xf32>
    %reduce_sum3A_451 = vector.extract %reduce_sum3A_450[0, 0, 0] : f32 from vector<1x1x1xf32>
    %eq3A_452 = arith.constant 35 : i32
    %eq3A_453 = vector.broadcast %eq3A_452 : i32 to vector<782x128xi32>
    %eq3A_454 = arith.cmpi eq, %get3A_1, %eq3A_453 : vector<782x128xi32>
    %jit3A_455 = arith.constant 1.000000e+00 : f32
    %jit3A_456 = arith.constant 0.000000e+00 : f32
    %broadcast_in_dim3A_457 = vector.broadcast %jit3A_455 : f32 to vector<782x128xf32>
    %broadcast_in_dim3A_458 = vector.broadcast %jit3A_456 : f32 to vector<782x128xf32>
    %select_n3A_459 = arith.select %eq3A_454, %broadcast_in_dim3A_457, %broadcast_in_dim3A_458 : vector<782x128xi1>, vector<782x128xf32>
    %reduce_sum3A_460 = vector.shape_cast %select_n3A_459 : vector<782x128xf32> to vector<1x782x128xf32>
    %reduce_sum3A_461 = arith.constant dense<0.000000e+00> : vector<1xf32>
    %reduce_sum3A_462 = vector.multi_reduction <add>, %reduce_sum3A_460, %reduce_sum3A_461 [1, 2] : vector<1x782x128xf32> to vector<1xf32>
    %reduce_sum3A_463 = vector.shape_cast %reduce_sum3A_462 : vector<1xf32> to vector<1x1x1xf32>
    %reduce_sum3A_464 = vector.extract %reduce_sum3A_463[0, 0, 0] : f32 from vector<1x1x1xf32>
    %eq3A_465 = arith.constant 36 : i32
    %eq3A_466 = vector.broadcast %eq3A_465 : i32 to vector<782x128xi32>
    %eq3A_467 = arith.cmpi eq, %get3A_1, %eq3A_466 : vector<782x128xi32>
    %jit3A_468 = arith.constant 1.000000e+00 : f32
    %jit3A_469 = arith.constant 0.000000e+00 : f32
    %broadcast_in_dim3A_470 = vector.broadcast %jit3A_468 : f32 to vector<782x128xf32>
    %broadcast_in_dim3A_471 = vector.broadcast %jit3A_469 : f32 to vector<782x128xf32>
    %select_n3A_472 = arith.select %eq3A_467, %broadcast_in_dim3A_470, %broadcast_in_dim3A_471 : vector<782x128xi1>, vector<782x128xf32>
    %reduce_sum3A_473 = vector.shape_cast %select_n3A_472 : vector<782x128xf32> to vector<1x782x128xf32>
    %reduce_sum3A_474 = arith.constant dense<0.000000e+00> : vector<1xf32>
    %reduce_sum3A_475 = vector.multi_reduction <add>, %reduce_sum3A_473, %reduce_sum3A_474 [1, 2] : vector<1x782x128xf32> to vector<1xf32>
    %reduce_sum3A_476 = vector.shape_cast %reduce_sum3A_475 : vector<1xf32> to vector<1x1x1xf32>
    %reduce_sum3A_477 = vector.extract %reduce_sum3A_476[0, 0, 0] : f32 from vector<1x1x1xf32>
    %eq3A_478 = arith.constant 37 : i32
    %eq3A_479 = vector.broadcast %eq3A_478 : i32 to vector<782x128xi32>
    %eq3A_480 = arith.cmpi eq, %get3A_1, %eq3A_479 : vector<782x128xi32>
    %jit3A_481 = arith.constant 1.000000e+00 : f32
    %jit3A_482 = arith.constant 0.000000e+00 : f32
    %broadcast_in_dim3A_483 = vector.broadcast %jit3A_481 : f32 to vector<782x128xf32>
    %broadcast_in_dim3A_484 = vector.broadcast %jit3A_482 : f32 to vector<782x128xf32>
    %select_n3A_485 = arith.select %eq3A_480, %broadcast_in_dim3A_483, %broadcast_in_dim3A_484 : vector<782x128xi1>, vector<782x128xf32>
    %reduce_sum3A_486 = vector.shape_cast %select_n3A_485 : vector<782x128xf32> to vector<1x782x128xf32>
    %reduce_sum3A_487 = arith.constant dense<0.000000e+00> : vector<1xf32>
    %reduce_sum3A_488 = vector.multi_reduction <add>, %reduce_sum3A_486, %reduce_sum3A_487 [1, 2] : vector<1x782x128xf32> to vector<1xf32>
    %reduce_sum3A_489 = vector.shape_cast %reduce_sum3A_488 : vector<1xf32> to vector<1x1x1xf32>
    %reduce_sum3A_490 = vector.extract %reduce_sum3A_489[0, 0, 0] : f32 from vector<1x1x1xf32>
    %eq3A_491 = arith.constant 38 : i32
    %eq3A_492 = vector.broadcast %eq3A_491 : i32 to vector<782x128xi32>
    %eq3A_493 = arith.cmpi eq, %get3A_1, %eq3A_492 : vector<782x128xi32>
    %jit3A_494 = arith.constant 1.000000e+00 : f32
    %jit3A_495 = arith.constant 0.000000e+00 : f32
    %broadcast_in_dim3A_496 = vector.broadcast %jit3A_494 : f32 to vector<782x128xf32>
    %broadcast_in_dim3A_497 = vector.broadcast %jit3A_495 : f32 to vector<782x128xf32>
    %select_n3A_498 = arith.select %eq3A_493, %broadcast_in_dim3A_496, %broadcast_in_dim3A_497 : vector<782x128xi1>, vector<782x128xf32>
    %reduce_sum3A_499 = vector.shape_cast %select_n3A_498 : vector<782x128xf32> to vector<1x782x128xf32>
    %reduce_sum3A_500 = arith.constant dense<0.000000e+00> : vector<1xf32>
    %reduce_sum3A_501 = vector.multi_reduction <add>, %reduce_sum3A_499, %reduce_sum3A_500 [1, 2] : vector<1x782x128xf32> to vector<1xf32>
    %reduce_sum3A_502 = vector.shape_cast %reduce_sum3A_501 : vector<1xf32> to vector<1x1x1xf32>
    %reduce_sum3A_503 = vector.extract %reduce_sum3A_502[0, 0, 0] : f32 from vector<1x1x1xf32>
    %eq3A_504 = arith.constant 39 : i32
    %eq3A_505 = vector.broadcast %eq3A_504 : i32 to vector<782x128xi32>
    %eq3A_506 = arith.cmpi eq, %get3A_1, %eq3A_505 : vector<782x128xi32>
    %jit3A_507 = arith.constant 1.000000e+00 : f32
    %jit3A_508 = arith.constant 0.000000e+00 : f32
    %broadcast_in_dim3A_509 = vector.broadcast %jit3A_507 : f32 to vector<782x128xf32>
    %broadcast_in_dim3A_510 = vector.broadcast %jit3A_508 : f32 to vector<782x128xf32>
    %select_n3A_511 = arith.select %eq3A_506, %broadcast_in_dim3A_509, %broadcast_in_dim3A_510 : vector<782x128xi1>, vector<782x128xf32>
    %reduce_sum3A_512 = vector.shape_cast %select_n3A_511 : vector<782x128xf32> to vector<1x782x128xf32>
    %reduce_sum3A_513 = arith.constant dense<0.000000e+00> : vector<1xf32>
    %reduce_sum3A_514 = vector.multi_reduction <add>, %reduce_sum3A_512, %reduce_sum3A_513 [1, 2] : vector<1x782x128xf32> to vector<1xf32>
    %reduce_sum3A_515 = vector.shape_cast %reduce_sum3A_514 : vector<1xf32> to vector<1x1x1xf32>
    %reduce_sum3A_516 = vector.extract %reduce_sum3A_515[0, 0, 0] : f32 from vector<1x1x1xf32>
    %eq3A_517 = arith.constant 40 : i32
    %eq3A_518 = vector.broadcast %eq3A_517 : i32 to vector<782x128xi32>
    %eq3A_519 = arith.cmpi eq, %get3A_1, %eq3A_518 : vector<782x128xi32>
    %jit3A_520 = arith.constant 1.000000e+00 : f32
    %jit3A_521 = arith.constant 0.000000e+00 : f32
    %broadcast_in_dim3A_522 = vector.broadcast %jit3A_520 : f32 to vector<782x128xf32>
    %broadcast_in_dim3A_523 = vector.broadcast %jit3A_521 : f32 to vector<782x128xf32>
    %select_n3A_524 = arith.select %eq3A_519, %broadcast_in_dim3A_522, %broadcast_in_dim3A_523 : vector<782x128xi1>, vector<782x128xf32>
    %reduce_sum3A_525 = vector.shape_cast %select_n3A_524 : vector<782x128xf32> to vector<1x782x128xf32>
    %reduce_sum3A_526 = arith.constant dense<0.000000e+00> : vector<1xf32>
    %reduce_sum3A_527 = vector.multi_reduction <add>, %reduce_sum3A_525, %reduce_sum3A_526 [1, 2] : vector<1x782x128xf32> to vector<1xf32>
    %reduce_sum3A_528 = vector.shape_cast %reduce_sum3A_527 : vector<1xf32> to vector<1x1x1xf32>
    %reduce_sum3A_529 = vector.extract %reduce_sum3A_528[0, 0, 0] : f32 from vector<1x1x1xf32>
    %eq3A_530 = arith.constant 41 : i32
    %eq3A_531 = vector.broadcast %eq3A_530 : i32 to vector<782x128xi32>
    %eq3A_532 = arith.cmpi eq, %get3A_1, %eq3A_531 : vector<782x128xi32>
    %jit3A_533 = arith.constant 1.000000e+00 : f32
    %jit3A_534 = arith.constant 0.000000e+00 : f32
    %broadcast_in_dim3A_535 = vector.broadcast %jit3A_533 : f32 to vector<782x128xf32>
    %broadcast_in_dim3A_536 = vector.broadcast %jit3A_534 : f32 to vector<782x128xf32>
    %select_n3A_537 = arith.select %eq3A_532, %broadcast_in_dim3A_535, %broadcast_in_dim3A_536 : vector<782x128xi1>, vector<782x128xf32>
    %reduce_sum3A_538 = vector.shape_cast %select_n3A_537 : vector<782x128xf32> to vector<1x782x128xf32>
    %reduce_sum3A_539 = arith.constant dense<0.000000e+00> : vector<1xf32>
    %reduce_sum3A_540 = vector.multi_reduction <add>, %reduce_sum3A_538, %reduce_sum3A_539 [1, 2] : vector<1x782x128xf32> to vector<1xf32>
    %reduce_sum3A_541 = vector.shape_cast %reduce_sum3A_540 : vector<1xf32> to vector<1x1x1xf32>
    %reduce_sum3A_542 = vector.extract %reduce_sum3A_541[0, 0, 0] : f32 from vector<1x1x1xf32>
    %eq3A_543 = arith.constant 42 : i32
    %eq3A_544 = vector.broadcast %eq3A_543 : i32 to vector<782x128xi32>
    %eq3A_545 = arith.cmpi eq, %get3A_1, %eq3A_544 : vector<782x128xi32>
    %jit3A_546 = arith.constant 1.000000e+00 : f32
    %jit3A_547 = arith.constant 0.000000e+00 : f32
    %broadcast_in_dim3A_548 = vector.broadcast %jit3A_546 : f32 to vector<782x128xf32>
    %broadcast_in_dim3A_549 = vector.broadcast %jit3A_547 : f32 to vector<782x128xf32>
    %select_n3A_550 = arith.select %eq3A_545, %broadcast_in_dim3A_548, %broadcast_in_dim3A_549 : vector<782x128xi1>, vector<782x128xf32>
    %reduce_sum3A_551 = vector.shape_cast %select_n3A_550 : vector<782x128xf32> to vector<1x782x128xf32>
    %reduce_sum3A_552 = arith.constant dense<0.000000e+00> : vector<1xf32>
    %reduce_sum3A_553 = vector.multi_reduction <add>, %reduce_sum3A_551, %reduce_sum3A_552 [1, 2] : vector<1x782x128xf32> to vector<1xf32>
    %reduce_sum3A_554 = vector.shape_cast %reduce_sum3A_553 : vector<1xf32> to vector<1x1x1xf32>
    %reduce_sum3A_555 = vector.extract %reduce_sum3A_554[0, 0, 0] : f32 from vector<1x1x1xf32>
    %eq3A_556 = arith.constant 43 : i32
    %eq3A_557 = vector.broadcast %eq3A_556 : i32 to vector<782x128xi32>
    %eq3A_558 = arith.cmpi eq, %get3A_1, %eq3A_557 : vector<782x128xi32>
    %jit3A_559 = arith.constant 1.000000e+00 : f32
    %jit3A_560 = arith.constant 0.000000e+00 : f32
    %broadcast_in_dim3A_561 = vector.broadcast %jit3A_559 : f32 to vector<782x128xf32>
    %broadcast_in_dim3A_562 = vector.broadcast %jit3A_560 : f32 to vector<782x128xf32>
    %select_n3A_563 = arith.select %eq3A_558, %broadcast_in_dim3A_561, %broadcast_in_dim3A_562 : vector<782x128xi1>, vector<782x128xf32>
    %reduce_sum3A_564 = vector.shape_cast %select_n3A_563 : vector<782x128xf32> to vector<1x782x128xf32>
    %reduce_sum3A_565 = arith.constant dense<0.000000e+00> : vector<1xf32>
    %reduce_sum3A_566 = vector.multi_reduction <add>, %reduce_sum3A_564, %reduce_sum3A_565 [1, 2] : vector<1x782x128xf32> to vector<1xf32>
    %reduce_sum3A_567 = vector.shape_cast %reduce_sum3A_566 : vector<1xf32> to vector<1x1x1xf32>
    %reduce_sum3A_568 = vector.extract %reduce_sum3A_567[0, 0, 0] : f32 from vector<1x1x1xf32>
    %eq3A_569 = arith.constant 44 : i32
    %eq3A_570 = vector.broadcast %eq3A_569 : i32 to vector<782x128xi32>
    %eq3A_571 = arith.cmpi eq, %get3A_1, %eq3A_570 : vector<782x128xi32>
    %jit3A_572 = arith.constant 1.000000e+00 : f32
    %jit3A_573 = arith.constant 0.000000e+00 : f32
    %broadcast_in_dim3A_574 = vector.broadcast %jit3A_572 : f32 to vector<782x128xf32>
    %broadcast_in_dim3A_575 = vector.broadcast %jit3A_573 : f32 to vector<782x128xf32>
    %select_n3A_576 = arith.select %eq3A_571, %broadcast_in_dim3A_574, %broadcast_in_dim3A_575 : vector<782x128xi1>, vector<782x128xf32>
    %reduce_sum3A_577 = vector.shape_cast %select_n3A_576 : vector<782x128xf32> to vector<1x782x128xf32>
    %reduce_sum3A_578 = arith.constant dense<0.000000e+00> : vector<1xf32>
    %reduce_sum3A_579 = vector.multi_reduction <add>, %reduce_sum3A_577, %reduce_sum3A_578 [1, 2] : vector<1x782x128xf32> to vector<1xf32>
    %reduce_sum3A_580 = vector.shape_cast %reduce_sum3A_579 : vector<1xf32> to vector<1x1x1xf32>
    %reduce_sum3A_581 = vector.extract %reduce_sum3A_580[0, 0, 0] : f32 from vector<1x1x1xf32>
    %eq3A_582 = arith.constant 45 : i32
    %eq3A_583 = vector.broadcast %eq3A_582 : i32 to vector<782x128xi32>
    %eq3A_584 = arith.cmpi eq, %get3A_1, %eq3A_583 : vector<782x128xi32>
    %jit3A_585 = arith.constant 1.000000e+00 : f32
    %jit3A_586 = arith.constant 0.000000e+00 : f32
    %broadcast_in_dim3A_587 = vector.broadcast %jit3A_585 : f32 to vector<782x128xf32>
    %broadcast_in_dim3A_588 = vector.broadcast %jit3A_586 : f32 to vector<782x128xf32>
    %select_n3A_589 = arith.select %eq3A_584, %broadcast_in_dim3A_587, %broadcast_in_dim3A_588 : vector<782x128xi1>, vector<782x128xf32>
    %reduce_sum3A_590 = vector.shape_cast %select_n3A_589 : vector<782x128xf32> to vector<1x782x128xf32>
    %reduce_sum3A_591 = arith.constant dense<0.000000e+00> : vector<1xf32>
    %reduce_sum3A_592 = vector.multi_reduction <add>, %reduce_sum3A_590, %reduce_sum3A_591 [1, 2] : vector<1x782x128xf32> to vector<1xf32>
    %reduce_sum3A_593 = vector.shape_cast %reduce_sum3A_592 : vector<1xf32> to vector<1x1x1xf32>
    %reduce_sum3A_594 = vector.extract %reduce_sum3A_593[0, 0, 0] : f32 from vector<1x1x1xf32>
    %eq3A_595 = arith.constant 46 : i32
    %eq3A_596 = vector.broadcast %eq3A_595 : i32 to vector<782x128xi32>
    %eq3A_597 = arith.cmpi eq, %get3A_1, %eq3A_596 : vector<782x128xi32>
    %jit3A_598 = arith.constant 1.000000e+00 : f32
    %jit3A_599 = arith.constant 0.000000e+00 : f32
    %broadcast_in_dim3A_600 = vector.broadcast %jit3A_598 : f32 to vector<782x128xf32>
    %broadcast_in_dim3A_601 = vector.broadcast %jit3A_599 : f32 to vector<782x128xf32>
    %select_n3A_602 = arith.select %eq3A_597, %broadcast_in_dim3A_600, %broadcast_in_dim3A_601 : vector<782x128xi1>, vector<782x128xf32>
    %reduce_sum3A_603 = vector.shape_cast %select_n3A_602 : vector<782x128xf32> to vector<1x782x128xf32>
    %reduce_sum3A_604 = arith.constant dense<0.000000e+00> : vector<1xf32>
    %reduce_sum3A_605 = vector.multi_reduction <add>, %reduce_sum3A_603, %reduce_sum3A_604 [1, 2] : vector<1x782x128xf32> to vector<1xf32>
    %reduce_sum3A_606 = vector.shape_cast %reduce_sum3A_605 : vector<1xf32> to vector<1x1x1xf32>
    %reduce_sum3A_607 = vector.extract %reduce_sum3A_606[0, 0, 0] : f32 from vector<1x1x1xf32>
    %eq3A_608 = arith.constant 47 : i32
    %eq3A_609 = vector.broadcast %eq3A_608 : i32 to vector<782x128xi32>
    %eq3A_610 = arith.cmpi eq, %get3A_1, %eq3A_609 : vector<782x128xi32>
    %jit3A_611 = arith.constant 1.000000e+00 : f32
    %jit3A_612 = arith.constant 0.000000e+00 : f32
    %broadcast_in_dim3A_613 = vector.broadcast %jit3A_611 : f32 to vector<782x128xf32>
    %broadcast_in_dim3A_614 = vector.broadcast %jit3A_612 : f32 to vector<782x128xf32>
    %select_n3A_615 = arith.select %eq3A_610, %broadcast_in_dim3A_613, %broadcast_in_dim3A_614 : vector<782x128xi1>, vector<782x128xf32>
    %reduce_sum3A_616 = vector.shape_cast %select_n3A_615 : vector<782x128xf32> to vector<1x782x128xf32>
    %reduce_sum3A_617 = arith.constant dense<0.000000e+00> : vector<1xf32>
    %reduce_sum3A_618 = vector.multi_reduction <add>, %reduce_sum3A_616, %reduce_sum3A_617 [1, 2] : vector<1x782x128xf32> to vector<1xf32>
    %reduce_sum3A_619 = vector.shape_cast %reduce_sum3A_618 : vector<1xf32> to vector<1x1x1xf32>
    %reduce_sum3A_620 = vector.extract %reduce_sum3A_619[0, 0, 0] : f32 from vector<1x1x1xf32>
    %eq3A_621 = arith.constant 48 : i32
    %eq3A_622 = vector.broadcast %eq3A_621 : i32 to vector<782x128xi32>
    %eq3A_623 = arith.cmpi eq, %get3A_1, %eq3A_622 : vector<782x128xi32>
    %jit3A_624 = arith.constant 1.000000e+00 : f32
    %jit3A_625 = arith.constant 0.000000e+00 : f32
    %broadcast_in_dim3A_626 = vector.broadcast %jit3A_624 : f32 to vector<782x128xf32>
    %broadcast_in_dim3A_627 = vector.broadcast %jit3A_625 : f32 to vector<782x128xf32>
    %select_n3A_628 = arith.select %eq3A_623, %broadcast_in_dim3A_626, %broadcast_in_dim3A_627 : vector<782x128xi1>, vector<782x128xf32>
    %reduce_sum3A_629 = vector.shape_cast %select_n3A_628 : vector<782x128xf32> to vector<1x782x128xf32>
    %reduce_sum3A_630 = arith.constant dense<0.000000e+00> : vector<1xf32>
    %reduce_sum3A_631 = vector.multi_reduction <add>, %reduce_sum3A_629, %reduce_sum3A_630 [1, 2] : vector<1x782x128xf32> to vector<1xf32>
    %reduce_sum3A_632 = vector.shape_cast %reduce_sum3A_631 : vector<1xf32> to vector<1x1x1xf32>
    %reduce_sum3A_633 = vector.extract %reduce_sum3A_632[0, 0, 0] : f32 from vector<1x1x1xf32>
    %eq3A_634 = arith.constant 49 : i32
    %eq3A_635 = vector.broadcast %eq3A_634 : i32 to vector<782x128xi32>
    %eq3A_636 = arith.cmpi eq, %get3A_1, %eq3A_635 : vector<782x128xi32>
    %jit3A_637 = arith.constant 1.000000e+00 : f32
    %jit3A_638 = arith.constant 0.000000e+00 : f32
    %broadcast_in_dim3A_639 = vector.broadcast %jit3A_637 : f32 to vector<782x128xf32>
    %broadcast_in_dim3A_640 = vector.broadcast %jit3A_638 : f32 to vector<782x128xf32>
    %select_n3A_641 = arith.select %eq3A_636, %broadcast_in_dim3A_639, %broadcast_in_dim3A_640 : vector<782x128xi1>, vector<782x128xf32>
    %reduce_sum3A_642 = vector.shape_cast %select_n3A_641 : vector<782x128xf32> to vector<1x782x128xf32>
    %reduce_sum3A_643 = arith.constant dense<0.000000e+00> : vector<1xf32>
    %reduce_sum3A_644 = vector.multi_reduction <add>, %reduce_sum3A_642, %reduce_sum3A_643 [1, 2] : vector<1x782x128xf32> to vector<1xf32>
    %reduce_sum3A_645 = vector.shape_cast %reduce_sum3A_644 : vector<1xf32> to vector<1x1x1xf32>
    %reduce_sum3A_646 = vector.extract %reduce_sum3A_645[0, 0, 0] : f32 from vector<1x1x1xf32>
    %eq3A_647 = arith.constant 50 : i32
    %eq3A_648 = vector.broadcast %eq3A_647 : i32 to vector<782x128xi32>
    %eq3A_649 = arith.cmpi eq, %get3A_1, %eq3A_648 : vector<782x128xi32>
    %jit3A_650 = arith.constant 1.000000e+00 : f32
    %jit3A_651 = arith.constant 0.000000e+00 : f32
    %broadcast_in_dim3A_652 = vector.broadcast %jit3A_650 : f32 to vector<782x128xf32>
    %broadcast_in_dim3A_653 = vector.broadcast %jit3A_651 : f32 to vector<782x128xf32>
    %select_n3A_654 = arith.select %eq3A_649, %broadcast_in_dim3A_652, %broadcast_in_dim3A_653 : vector<782x128xi1>, vector<782x128xf32>
    %reduce_sum3A_655 = vector.shape_cast %select_n3A_654 : vector<782x128xf32> to vector<1x782x128xf32>
    %reduce_sum3A_656 = arith.constant dense<0.000000e+00> : vector<1xf32>
    %reduce_sum3A_657 = vector.multi_reduction <add>, %reduce_sum3A_655, %reduce_sum3A_656 [1, 2] : vector<1x782x128xf32> to vector<1xf32>
    %reduce_sum3A_658 = vector.shape_cast %reduce_sum3A_657 : vector<1xf32> to vector<1x1x1xf32>
    %reduce_sum3A_659 = vector.extract %reduce_sum3A_658[0, 0, 0] : f32 from vector<1x1x1xf32>
    %eq3A_660 = arith.constant 51 : i32
    %eq3A_661 = vector.broadcast %eq3A_660 : i32 to vector<782x128xi32>
    %eq3A_662 = arith.cmpi eq, %get3A_1, %eq3A_661 : vector<782x128xi32>
    %jit3A_663 = arith.constant 1.000000e+00 : f32
    %jit3A_664 = arith.constant 0.000000e+00 : f32
    %broadcast_in_dim3A_665 = vector.broadcast %jit3A_663 : f32 to vector<782x128xf32>
    %broadcast_in_dim3A_666 = vector.broadcast %jit3A_664 : f32 to vector<782x128xf32>
    %select_n3A_667 = arith.select %eq3A_662, %broadcast_in_dim3A_665, %broadcast_in_dim3A_666 : vector<782x128xi1>, vector<782x128xf32>
    %reduce_sum3A_668 = vector.shape_cast %select_n3A_667 : vector<782x128xf32> to vector<1x782x128xf32>
    %reduce_sum3A_669 = arith.constant dense<0.000000e+00> : vector<1xf32>
    %reduce_sum3A_670 = vector.multi_reduction <add>, %reduce_sum3A_668, %reduce_sum3A_669 [1, 2] : vector<1x782x128xf32> to vector<1xf32>
    %reduce_sum3A_671 = vector.shape_cast %reduce_sum3A_670 : vector<1xf32> to vector<1x1x1xf32>
    %reduce_sum3A_672 = vector.extract %reduce_sum3A_671[0, 0, 0] : f32 from vector<1x1x1xf32>
    %eq3A_673 = arith.constant 52 : i32
    %eq3A_674 = vector.broadcast %eq3A_673 : i32 to vector<782x128xi32>
    %eq3A_675 = arith.cmpi eq, %get3A_1, %eq3A_674 : vector<782x128xi32>
    %jit3A_676 = arith.constant 1.000000e+00 : f32
    %jit3A_677 = arith.constant 0.000000e+00 : f32
    %broadcast_in_dim3A_678 = vector.broadcast %jit3A_676 : f32 to vector<782x128xf32>
    %broadcast_in_dim3A_679 = vector.broadcast %jit3A_677 : f32 to vector<782x128xf32>
    %select_n3A_680 = arith.select %eq3A_675, %broadcast_in_dim3A_678, %broadcast_in_dim3A_679 : vector<782x128xi1>, vector<782x128xf32>
    %reduce_sum3A_681 = vector.shape_cast %select_n3A_680 : vector<782x128xf32> to vector<1x782x128xf32>
    %reduce_sum3A_682 = arith.constant dense<0.000000e+00> : vector<1xf32>
    %reduce_sum3A_683 = vector.multi_reduction <add>, %reduce_sum3A_681, %reduce_sum3A_682 [1, 2] : vector<1x782x128xf32> to vector<1xf32>
    %reduce_sum3A_684 = vector.shape_cast %reduce_sum3A_683 : vector<1xf32> to vector<1x1x1xf32>
    %reduce_sum3A_685 = vector.extract %reduce_sum3A_684[0, 0, 0] : f32 from vector<1x1x1xf32>
    %eq3A_686 = arith.constant 53 : i32
    %eq3A_687 = vector.broadcast %eq3A_686 : i32 to vector<782x128xi32>
    %eq3A_688 = arith.cmpi eq, %get3A_1, %eq3A_687 : vector<782x128xi32>
    %jit3A_689 = arith.constant 1.000000e+00 : f32
    %jit3A_690 = arith.constant 0.000000e+00 : f32
    %broadcast_in_dim3A_691 = vector.broadcast %jit3A_689 : f32 to vector<782x128xf32>
    %broadcast_in_dim3A_692 = vector.broadcast %jit3A_690 : f32 to vector<782x128xf32>
    %select_n3A_693 = arith.select %eq3A_688, %broadcast_in_dim3A_691, %broadcast_in_dim3A_692 : vector<782x128xi1>, vector<782x128xf32>
    %reduce_sum3A_694 = vector.shape_cast %select_n3A_693 : vector<782x128xf32> to vector<1x782x128xf32>
    %reduce_sum3A_695 = arith.constant dense<0.000000e+00> : vector<1xf32>
    %reduce_sum3A_696 = vector.multi_reduction <add>, %reduce_sum3A_694, %reduce_sum3A_695 [1, 2] : vector<1x782x128xf32> to vector<1xf32>
    %reduce_sum3A_697 = vector.shape_cast %reduce_sum3A_696 : vector<1xf32> to vector<1x1x1xf32>
    %reduce_sum3A_698 = vector.extract %reduce_sum3A_697[0, 0, 0] : f32 from vector<1x1x1xf32>
    %eq3A_699 = arith.constant 54 : i32
    %eq3A_700 = vector.broadcast %eq3A_699 : i32 to vector<782x128xi32>
    %eq3A_701 = arith.cmpi eq, %get3A_1, %eq3A_700 : vector<782x128xi32>
    %jit3A_702 = arith.constant 1.000000e+00 : f32
    %jit3A_703 = arith.constant 0.000000e+00 : f32
    %broadcast_in_dim3A_704 = vector.broadcast %jit3A_702 : f32 to vector<782x128xf32>
    %broadcast_in_dim3A_705 = vector.broadcast %jit3A_703 : f32 to vector<782x128xf32>
    %select_n3A_706 = arith.select %eq3A_701, %broadcast_in_dim3A_704, %broadcast_in_dim3A_705 : vector<782x128xi1>, vector<782x128xf32>
    %reduce_sum3A_707 = vector.shape_cast %select_n3A_706 : vector<782x128xf32> to vector<1x782x128xf32>
    %reduce_sum3A_708 = arith.constant dense<0.000000e+00> : vector<1xf32>
    %reduce_sum3A_709 = vector.multi_reduction <add>, %reduce_sum3A_707, %reduce_sum3A_708 [1, 2] : vector<1x782x128xf32> to vector<1xf32>
    %reduce_sum3A_710 = vector.shape_cast %reduce_sum3A_709 : vector<1xf32> to vector<1x1x1xf32>
    %reduce_sum3A_711 = vector.extract %reduce_sum3A_710[0, 0, 0] : f32 from vector<1x1x1xf32>
    %eq3A_712 = arith.constant 55 : i32
    %eq3A_713 = vector.broadcast %eq3A_712 : i32 to vector<782x128xi32>
    %eq3A_714 = arith.cmpi eq, %get3A_1, %eq3A_713 : vector<782x128xi32>
    %jit3A_715 = arith.constant 1.000000e+00 : f32
    %jit3A_716 = arith.constant 0.000000e+00 : f32
    %broadcast_in_dim3A_717 = vector.broadcast %jit3A_715 : f32 to vector<782x128xf32>
    %broadcast_in_dim3A_718 = vector.broadcast %jit3A_716 : f32 to vector<782x128xf32>
    %select_n3A_719 = arith.select %eq3A_714, %broadcast_in_dim3A_717, %broadcast_in_dim3A_718 : vector<782x128xi1>, vector<782x128xf32>
    %reduce_sum3A_720 = vector.shape_cast %select_n3A_719 : vector<782x128xf32> to vector<1x782x128xf32>
    %reduce_sum3A_721 = arith.constant dense<0.000000e+00> : vector<1xf32>
    %reduce_sum3A_722 = vector.multi_reduction <add>, %reduce_sum3A_720, %reduce_sum3A_721 [1, 2] : vector<1x782x128xf32> to vector<1xf32>
    %reduce_sum3A_723 = vector.shape_cast %reduce_sum3A_722 : vector<1xf32> to vector<1x1x1xf32>
    %reduce_sum3A_724 = vector.extract %reduce_sum3A_723[0, 0, 0] : f32 from vector<1x1x1xf32>
    %eq3A_725 = arith.constant 56 : i32
    %eq3A_726 = vector.broadcast %eq3A_725 : i32 to vector<782x128xi32>
    %eq3A_727 = arith.cmpi eq, %get3A_1, %eq3A_726 : vector<782x128xi32>
    %jit3A_728 = arith.constant 1.000000e+00 : f32
    %jit3A_729 = arith.constant 0.000000e+00 : f32
    %broadcast_in_dim3A_730 = vector.broadcast %jit3A_728 : f32 to vector<782x128xf32>
    %broadcast_in_dim3A_731 = vector.broadcast %jit3A_729 : f32 to vector<782x128xf32>
    %select_n3A_732 = arith.select %eq3A_727, %broadcast_in_dim3A_730, %broadcast_in_dim3A_731 : vector<782x128xi1>, vector<782x128xf32>
    %reduce_sum3A_733 = vector.shape_cast %select_n3A_732 : vector<782x128xf32> to vector<1x782x128xf32>
    %reduce_sum3A_734 = arith.constant dense<0.000000e+00> : vector<1xf32>
    %reduce_sum3A_735 = vector.multi_reduction <add>, %reduce_sum3A_733, %reduce_sum3A_734 [1, 2] : vector<1x782x128xf32> to vector<1xf32>
    %reduce_sum3A_736 = vector.shape_cast %reduce_sum3A_735 : vector<1xf32> to vector<1x1x1xf32>
    %reduce_sum3A_737 = vector.extract %reduce_sum3A_736[0, 0, 0] : f32 from vector<1x1x1xf32>
    %eq3A_738 = arith.constant 57 : i32
    %eq3A_739 = vector.broadcast %eq3A_738 : i32 to vector<782x128xi32>
    %eq3A_740 = arith.cmpi eq, %get3A_1, %eq3A_739 : vector<782x128xi32>
    %jit3A_741 = arith.constant 1.000000e+00 : f32
    %jit3A_742 = arith.constant 0.000000e+00 : f32
    %broadcast_in_dim3A_743 = vector.broadcast %jit3A_741 : f32 to vector<782x128xf32>
    %broadcast_in_dim3A_744 = vector.broadcast %jit3A_742 : f32 to vector<782x128xf32>
    %select_n3A_745 = arith.select %eq3A_740, %broadcast_in_dim3A_743, %broadcast_in_dim3A_744 : vector<782x128xi1>, vector<782x128xf32>
    %reduce_sum3A_746 = vector.shape_cast %select_n3A_745 : vector<782x128xf32> to vector<1x782x128xf32>
    %reduce_sum3A_747 = arith.constant dense<0.000000e+00> : vector<1xf32>
    %reduce_sum3A_748 = vector.multi_reduction <add>, %reduce_sum3A_746, %reduce_sum3A_747 [1, 2] : vector<1x782x128xf32> to vector<1xf32>
    %reduce_sum3A_749 = vector.shape_cast %reduce_sum3A_748 : vector<1xf32> to vector<1x1x1xf32>
    %reduce_sum3A_750 = vector.extract %reduce_sum3A_749[0, 0, 0] : f32 from vector<1x1x1xf32>
    %eq3A_751 = arith.constant 58 : i32
    %eq3A_752 = vector.broadcast %eq3A_751 : i32 to vector<782x128xi32>
    %eq3A_753 = arith.cmpi eq, %get3A_1, %eq3A_752 : vector<782x128xi32>
    %jit3A_754 = arith.constant 1.000000e+00 : f32
    %jit3A_755 = arith.constant 0.000000e+00 : f32
    %broadcast_in_dim3A_756 = vector.broadcast %jit3A_754 : f32 to vector<782x128xf32>
    %broadcast_in_dim3A_757 = vector.broadcast %jit3A_755 : f32 to vector<782x128xf32>
    %select_n3A_758 = arith.select %eq3A_753, %broadcast_in_dim3A_756, %broadcast_in_dim3A_757 : vector<782x128xi1>, vector<782x128xf32>
    %reduce_sum3A_759 = vector.shape_cast %select_n3A_758 : vector<782x128xf32> to vector<1x782x128xf32>
    %reduce_sum3A_760 = arith.constant dense<0.000000e+00> : vector<1xf32>
    %reduce_sum3A_761 = vector.multi_reduction <add>, %reduce_sum3A_759, %reduce_sum3A_760 [1, 2] : vector<1x782x128xf32> to vector<1xf32>
    %reduce_sum3A_762 = vector.shape_cast %reduce_sum3A_761 : vector<1xf32> to vector<1x1x1xf32>
    %reduce_sum3A_763 = vector.extract %reduce_sum3A_762[0, 0, 0] : f32 from vector<1x1x1xf32>
    %eq3A_764 = arith.constant 59 : i32
    %eq3A_765 = vector.broadcast %eq3A_764 : i32 to vector<782x128xi32>
    %eq3A_766 = arith.cmpi eq, %get3A_1, %eq3A_765 : vector<782x128xi32>
    %jit3A_767 = arith.constant 1.000000e+00 : f32
    %jit3A_768 = arith.constant 0.000000e+00 : f32
    %broadcast_in_dim3A_769 = vector.broadcast %jit3A_767 : f32 to vector<782x128xf32>
    %broadcast_in_dim3A_770 = vector.broadcast %jit3A_768 : f32 to vector<782x128xf32>
    %select_n3A_771 = arith.select %eq3A_766, %broadcast_in_dim3A_769, %broadcast_in_dim3A_770 : vector<782x128xi1>, vector<782x128xf32>
    %reduce_sum3A_772 = vector.shape_cast %select_n3A_771 : vector<782x128xf32> to vector<1x782x128xf32>
    %reduce_sum3A_773 = arith.constant dense<0.000000e+00> : vector<1xf32>
    %reduce_sum3A_774 = vector.multi_reduction <add>, %reduce_sum3A_772, %reduce_sum3A_773 [1, 2] : vector<1x782x128xf32> to vector<1xf32>
    %reduce_sum3A_775 = vector.shape_cast %reduce_sum3A_774 : vector<1xf32> to vector<1x1x1xf32>
    %reduce_sum3A_776 = vector.extract %reduce_sum3A_775[0, 0, 0] : f32 from vector<1x1x1xf32>
    %eq3A_777 = arith.constant 60 : i32
    %eq3A_778 = vector.broadcast %eq3A_777 : i32 to vector<782x128xi32>
    %eq3A_779 = arith.cmpi eq, %get3A_1, %eq3A_778 : vector<782x128xi32>
    %jit3A_780 = arith.constant 1.000000e+00 : f32
    %jit3A_781 = arith.constant 0.000000e+00 : f32
    %broadcast_in_dim3A_782 = vector.broadcast %jit3A_780 : f32 to vector<782x128xf32>
    %broadcast_in_dim3A_783 = vector.broadcast %jit3A_781 : f32 to vector<782x128xf32>
    %select_n3A_784 = arith.select %eq3A_779, %broadcast_in_dim3A_782, %broadcast_in_dim3A_783 : vector<782x128xi1>, vector<782x128xf32>
    %reduce_sum3A_785 = vector.shape_cast %select_n3A_784 : vector<782x128xf32> to vector<1x782x128xf32>
    %reduce_sum3A_786 = arith.constant dense<0.000000e+00> : vector<1xf32>
    %reduce_sum3A_787 = vector.multi_reduction <add>, %reduce_sum3A_785, %reduce_sum3A_786 [1, 2] : vector<1x782x128xf32> to vector<1xf32>
    %reduce_sum3A_788 = vector.shape_cast %reduce_sum3A_787 : vector<1xf32> to vector<1x1x1xf32>
    %reduce_sum3A_789 = vector.extract %reduce_sum3A_788[0, 0, 0] : f32 from vector<1x1x1xf32>
    %eq3A_790 = arith.constant 61 : i32
    %eq3A_791 = vector.broadcast %eq3A_790 : i32 to vector<782x128xi32>
    %eq3A_792 = arith.cmpi eq, %get3A_1, %eq3A_791 : vector<782x128xi32>
    %jit3A_793 = arith.constant 1.000000e+00 : f32
    %jit3A_794 = arith.constant 0.000000e+00 : f32
    %broadcast_in_dim3A_795 = vector.broadcast %jit3A_793 : f32 to vector<782x128xf32>
    %broadcast_in_dim3A_796 = vector.broadcast %jit3A_794 : f32 to vector<782x128xf32>
    %select_n3A_797 = arith.select %eq3A_792, %broadcast_in_dim3A_795, %broadcast_in_dim3A_796 : vector<782x128xi1>, vector<782x128xf32>
    %reduce_sum3A_798 = vector.shape_cast %select_n3A_797 : vector<782x128xf32> to vector<1x782x128xf32>
    %reduce_sum3A_799 = arith.constant dense<0.000000e+00> : vector<1xf32>
    %reduce_sum3A_800 = vector.multi_reduction <add>, %reduce_sum3A_798, %reduce_sum3A_799 [1, 2] : vector<1x782x128xf32> to vector<1xf32>
    %reduce_sum3A_801 = vector.shape_cast %reduce_sum3A_800 : vector<1xf32> to vector<1x1x1xf32>
    %reduce_sum3A_802 = vector.extract %reduce_sum3A_801[0, 0, 0] : f32 from vector<1x1x1xf32>
    %eq3A_803 = arith.constant 62 : i32
    %eq3A_804 = vector.broadcast %eq3A_803 : i32 to vector<782x128xi32>
    %eq3A_805 = arith.cmpi eq, %get3A_1, %eq3A_804 : vector<782x128xi32>
    %jit3A_806 = arith.constant 1.000000e+00 : f32
    %jit3A_807 = arith.constant 0.000000e+00 : f32
    %broadcast_in_dim3A_808 = vector.broadcast %jit3A_806 : f32 to vector<782x128xf32>
    %broadcast_in_dim3A_809 = vector.broadcast %jit3A_807 : f32 to vector<782x128xf32>
    %select_n3A_810 = arith.select %eq3A_805, %broadcast_in_dim3A_808, %broadcast_in_dim3A_809 : vector<782x128xi1>, vector<782x128xf32>
    %reduce_sum3A_811 = vector.shape_cast %select_n3A_810 : vector<782x128xf32> to vector<1x782x128xf32>
    %reduce_sum3A_812 = arith.constant dense<0.000000e+00> : vector<1xf32>
    %reduce_sum3A_813 = vector.multi_reduction <add>, %reduce_sum3A_811, %reduce_sum3A_812 [1, 2] : vector<1x782x128xf32> to vector<1xf32>
    %reduce_sum3A_814 = vector.shape_cast %reduce_sum3A_813 : vector<1xf32> to vector<1x1x1xf32>
    %reduce_sum3A_815 = vector.extract %reduce_sum3A_814[0, 0, 0] : f32 from vector<1x1x1xf32>
    %eq3A_816 = arith.constant 63 : i32
    %eq3A_817 = vector.broadcast %eq3A_816 : i32 to vector<782x128xi32>
    %eq3A_818 = arith.cmpi eq, %get3A_1, %eq3A_817 : vector<782x128xi32>
    %jit3A_819 = arith.constant 1.000000e+00 : f32
    %jit3A_820 = arith.constant 0.000000e+00 : f32
    %broadcast_in_dim3A_821 = vector.broadcast %jit3A_819 : f32 to vector<782x128xf32>
    %broadcast_in_dim3A_822 = vector.broadcast %jit3A_820 : f32 to vector<782x128xf32>
    %select_n3A_823 = arith.select %eq3A_818, %broadcast_in_dim3A_821, %broadcast_in_dim3A_822 : vector<782x128xi1>, vector<782x128xf32>
    %reduce_sum3A_824 = vector.shape_cast %select_n3A_823 : vector<782x128xf32> to vector<1x782x128xf32>
    %reduce_sum3A_825 = arith.constant dense<0.000000e+00> : vector<1xf32>
    %reduce_sum3A_826 = vector.multi_reduction <add>, %reduce_sum3A_824, %reduce_sum3A_825 [1, 2] : vector<1x782x128xf32> to vector<1xf32>
    %reduce_sum3A_827 = vector.shape_cast %reduce_sum3A_826 : vector<1xf32> to vector<1x1x1xf32>
    %reduce_sum3A_828 = vector.extract %reduce_sum3A_827[0, 0, 0] : f32 from vector<1x1x1xf32>
    %stack3A = vector.broadcast %reduce_sum3A_9 : f32 to vector<1xf32>
    %stack3A_829 = vector.broadcast %reduce_sum3A_22 : f32 to vector<1xf32>
    %stack3A_830 = vector.broadcast %reduce_sum3A_35 : f32 to vector<1xf32>
    %stack3A_831 = vector.broadcast %reduce_sum3A_48 : f32 to vector<1xf32>
    %stack3A_832 = vector.broadcast %reduce_sum3A_61 : f32 to vector<1xf32>
    %stack3A_833 = vector.broadcast %reduce_sum3A_74 : f32 to vector<1xf32>
    %stack3A_834 = vector.broadcast %reduce_sum3A_87 : f32 to vector<1xf32>
    %stack3A_835 = vector.broadcast %reduce_sum3A_100 : f32 to vector<1xf32>
    %stack3A_836 = vector.broadcast %reduce_sum3A_113 : f32 to vector<1xf32>
    %stack3A_837 = vector.broadcast %reduce_sum3A_126 : f32 to vector<1xf32>
    %stack3A_838 = vector.broadcast %reduce_sum3A_139 : f32 to vector<1xf32>
    %stack3A_839 = vector.broadcast %reduce_sum3A_152 : f32 to vector<1xf32>
    %stack3A_840 = vector.broadcast %reduce_sum3A_165 : f32 to vector<1xf32>
    %stack3A_841 = vector.broadcast %reduce_sum3A_178 : f32 to vector<1xf32>
    %stack3A_842 = vector.broadcast %reduce_sum3A_191 : f32 to vector<1xf32>
    %stack3A_843 = vector.broadcast %reduce_sum3A_204 : f32 to vector<1xf32>
    %stack3A_844 = vector.broadcast %reduce_sum3A_217 : f32 to vector<1xf32>
    %stack3A_845 = vector.broadcast %reduce_sum3A_230 : f32 to vector<1xf32>
    %stack3A_846 = vector.broadcast %reduce_sum3A_243 : f32 to vector<1xf32>
    %stack3A_847 = vector.broadcast %reduce_sum3A_256 : f32 to vector<1xf32>
    %stack3A_848 = vector.broadcast %reduce_sum3A_269 : f32 to vector<1xf32>
    %stack3A_849 = vector.broadcast %reduce_sum3A_282 : f32 to vector<1xf32>
    %stack3A_850 = vector.broadcast %reduce_sum3A_295 : f32 to vector<1xf32>
    %stack3A_851 = vector.broadcast %reduce_sum3A_308 : f32 to vector<1xf32>
    %stack3A_852 = vector.broadcast %reduce_sum3A_321 : f32 to vector<1xf32>
    %stack3A_853 = vector.broadcast %reduce_sum3A_334 : f32 to vector<1xf32>
    %stack3A_854 = vector.broadcast %reduce_sum3A_347 : f32 to vector<1xf32>
    %stack3A_855 = vector.broadcast %reduce_sum3A_360 : f32 to vector<1xf32>
    %stack3A_856 = vector.broadcast %reduce_sum3A_373 : f32 to vector<1xf32>
    %stack3A_857 = vector.broadcast %reduce_sum3A_386 : f32 to vector<1xf32>
    %stack3A_858 = vector.broadcast %reduce_sum3A_399 : f32 to vector<1xf32>
    %stack3A_859 = vector.broadcast %reduce_sum3A_412 : f32 to vector<1xf32>
    %stack3A_860 = vector.broadcast %reduce_sum3A_425 : f32 to vector<1xf32>
    %stack3A_861 = vector.broadcast %reduce_sum3A_438 : f32 to vector<1xf32>
    %stack3A_862 = vector.broadcast %reduce_sum3A_451 : f32 to vector<1xf32>
    %stack3A_863 = vector.broadcast %reduce_sum3A_464 : f32 to vector<1xf32>
    %stack3A_864 = vector.broadcast %reduce_sum3A_477 : f32 to vector<1xf32>
    %stack3A_865 = vector.broadcast %reduce_sum3A_490 : f32 to vector<1xf32>
    %stack3A_866 = vector.broadcast %reduce_sum3A_503 : f32 to vector<1xf32>
    %stack3A_867 = vector.broadcast %reduce_sum3A_516 : f32 to vector<1xf32>
    %stack3A_868 = vector.broadcast %reduce_sum3A_529 : f32 to vector<1xf32>
    %stack3A_869 = vector.broadcast %reduce_sum3A_542 : f32 to vector<1xf32>
    %stack3A_870 = vector.broadcast %reduce_sum3A_555 : f32 to vector<1xf32>
    %stack3A_871 = vector.broadcast %reduce_sum3A_568 : f32 to vector<1xf32>
    %stack3A_872 = vector.broadcast %reduce_sum3A_581 : f32 to vector<1xf32>
    %stack3A_873 = vector.broadcast %reduce_sum3A_594 : f32 to vector<1xf32>
    %stack3A_874 = vector.broadcast %reduce_sum3A_607 : f32 to vector<1xf32>
    %stack3A_875 = vector.broadcast %reduce_sum3A_620 : f32 to vector<1xf32>
    %stack3A_876 = vector.broadcast %reduce_sum3A_633 : f32 to vector<1xf32>
    %stack3A_877 = vector.broadcast %reduce_sum3A_646 : f32 to vector<1xf32>
    %stack3A_878 = vector.broadcast %reduce_sum3A_659 : f32 to vector<1xf32>
    %stack3A_879 = vector.broadcast %reduce_sum3A_672 : f32 to vector<1xf32>
    %stack3A_880 = vector.broadcast %reduce_sum3A_685 : f32 to vector<1xf32>
    %stack3A_881 = vector.broadcast %reduce_sum3A_698 : f32 to vector<1xf32>
    %stack3A_882 = vector.broadcast %reduce_sum3A_711 : f32 to vector<1xf32>
    %stack3A_883 = vector.broadcast %reduce_sum3A_724 : f32 to vector<1xf32>
    %stack3A_884 = vector.broadcast %reduce_sum3A_737 : f32 to vector<1xf32>
    %stack3A_885 = vector.broadcast %reduce_sum3A_750 : f32 to vector<1xf32>
    %stack3A_886 = vector.broadcast %reduce_sum3A_763 : f32 to vector<1xf32>
    %stack3A_887 = vector.broadcast %reduce_sum3A_776 : f32 to vector<1xf32>
    %stack3A_888 = vector.broadcast %reduce_sum3A_789 : f32 to vector<1xf32>
    %stack3A_889 = vector.broadcast %reduce_sum3A_802 : f32 to vector<1xf32>
    %stack3A_890 = vector.broadcast %reduce_sum3A_815 : f32 to vector<1xf32>
    %stack3A_891 = vector.broadcast %reduce_sum3A_828 : f32 to vector<1xf32>
    %stack3A_892 = tpu.concatenate %stack3A, %stack3A_829, %stack3A_830, %stack3A_831, %stack3A_832, %stack3A_833, %stack3A_834, %stack3A_835, %stack3A_836, %stack3A_837, %stack3A_838, %stack3A_839, %stack3A_840, %stack3A_841, %stack3A_842, %stack3A_843, %stack3A_844, %stack3A_845, %stack3A_846, %stack3A_847, %stack3A_848, %stack3A_849, %stack3A_850, %stack3A_851, %stack3A_852, %stack3A_853, %stack3A_854, %stack3A_855, %stack3A_856, %stack3A_857, %stack3A_858, %stack3A_859, %stack3A_860, %stack3A_861, %stack3A_862, %stack3A_863, %stack3A_864, %stack3A_865, %stack3A_866, %stack3A_867, %stack3A_868, %stack3A_869, %stack3A_870, %stack3A_871, %stack3A_872, %stack3A_873, %stack3A_874, %stack3A_875, %stack3A_876, %stack3A_877, %stack3A_878, %stack3A_879, %stack3A_880, %stack3A_881, %stack3A_882, %stack3A_883, %stack3A_884, %stack3A_885, %stack3A_886, %stack3A_887, %stack3A_888, %stack3A_889, %stack3A_890, %stack3A_891 in 0 : vector<1xf32>, vector<1xf32>, vector<1xf32>, vector<1xf32>, vector<1xf32>, vector<1xf32>, vector<1xf32>, vector<1xf32>, vector<1xf32>, vector<1xf32>, vector<1xf32>, vector<1xf32>, vector<1xf32>, vector<1xf32>, vector<1xf32>, vector<1xf32>, vector<1xf32>, vector<1xf32>, vector<1xf32>, vector<1xf32>, vector<1xf32>, vector<1xf32>, vector<1xf32>, vector<1xf32>, vector<1xf32>, vector<1xf32>, vector<1xf32>, vector<1xf32>, vector<1xf32>, vector<1xf32>, vector<1xf32>, vector<1xf32>, vector<1xf32>, vector<1xf32>, vector<1xf32>, vector<1xf32>, vector<1xf32>, vector<1xf32>, vector<1xf32>, vector<1xf32>, vector<1xf32>, vector<1xf32>, vector<1xf32>, vector<1xf32>, vector<1xf32>, vector<1xf32>, vector<1xf32>, vector<1xf32>, vector<1xf32>, vector<1xf32>, vector<1xf32>, vector<1xf32>, vector<1xf32>, vector<1xf32>, vector<1xf32>, vector<1xf32>, vector<1xf32>, vector<1xf32>, vector<1xf32>, vector<1xf32>, vector<1xf32>, vector<1xf32>, vector<1xf32>, vector<1xf32> -> vector<64xf32>
    %reshape3A = vector.shape_cast %stack3A_892 : vector<64xf32> to vector<64x1xf32>
    %swap3A = arith.constant 0 : index
    %swap3A_893 = arith.constant 0 : index
    %swap3A_894 = vector.load %arg1[%swap3A, %swap3A_893] : memref<64x1xf32, #tpu.memory_space<vmem>>, vector<64x1xf32>
    tpu.vector_store %arg1[%swap3A, %swap3A_893], %reshape3A {strides = array<i32>} : memref<64x1xf32, #tpu.memory_space<vmem>>, vector<64x1xf32>,
    return
  }
}

</mosaic_0001>

<sc_bundles>
// kernel: kernel.5.cloned.1.call-start
scs
__scs_entry_jumppad:
0x0: {  	(pc) =	sbr.rel $0x88, $3  }
0x1: {  	(tag) =	ssettag $0x0;
	lr =	simm.s32 $0x1  }
0x2: {  	[smem:$0x3F9F] =	sst lr;
	_ =	strace $0xD0000000  }
0x3: {  	_ = 	snop  }
0x4: {  	_ = 	snop  }
0x5: {  	_ = 	snop  }
0x6: {  	_ = 	snop  }
0x7: {  	_ = 	snop  }
__scs_overlays_trampoline_lowered:
0x8: {  	[smem:$0x3FAE] =	sst s0  }
0x9: {  	[smem:$0x3FAF] =	sst s1  }
0xa: {  	[smem:$0x3FB0] =	sst s2  }
0xb: {  	[smem:$0x3FB1] =	sst s3  }
0xc: {  	[smem:$0x3FB2] =	sst s4  }
0xd: {  	[smem:$0x3FB3] =	sst s5  }
0xe: {  	[smem:$0x3FB4] =	sst s6  }
0xf: {  	[smem:$0x3FB5] =	sst s7  }
0x10: {  	[smem:$0x3FB6] =	sst s8  }
0x11: {  	[smem:$0x3FB7] =	sst s9;
	s0 =	simm.s32 @!p0 $0x0  }
0x12: {  	s1 =	sld [smem:$0x3F9D];
	s0 =	simm.s32 @p0 $0x1  }
0x13: {  	[smem:$0x3FB8] =	sst s0;
	s0 =	simm.s32 @!p1 $0x0  }
0x14: {  	s2 =	sld [smem:$0x3F9C];
	s0 =	simm.s32 @p1 $0x1  }
0x15: {  	[smem:$0x3FB9] =	sst s0;
	s0 =	simm.s32 @!p2 $0x0  }
0x16: {  	s3 =	sld [smem:$0x3FDB];
	s0 =	simm.s32 @p2 $0x1  }
0x17: {  	s4 =	simm.s32 $0x1BF5;
	[smem:$0x3FBB] =	sst s0  }
0x18: {  	s0 =	sld [smem:$0x3F9E];
	_ =	swait.ge [sflag:s4], $0x0  }
0x19: {  	s7 =	sld [smem:$0x3F9F]  }
0x1a: {  	s8 =	sadd.s32 $0xFFFFE003, lr  }
0x1b: {  	s9 =	sadd.s32 $0xFFFFFEF7, lr;
	s5 =	simm.s32 $0xFFFFFFFF;
	p2 =	slt.u32 s8, $0xFFFFF086  }
0x1c: {  	p1 =	slt.u32 s9, $0xF7A;
	s5 =	simm.s32 @!p2 $0x0  }
0x1d: {  	s5 =	simm.s32 @p1 $0x1;
	p0 =	seq.s32 s7, s2  }
0x1e: {  	s7 =	smul.u32 @!p0 $0xF7A, s2;
	p2 =	seq.s32 @!p0 s5, $0x0  }
0x1f: {  	s9 =	smul.u32 $0xF7A, s1;
	s8 =	simm.s32 @!p0 $0x1BF5;
	p2 =	por !p2, p0  }
0x20: {  	[sflag:s8] =	ssyncset.s32 @!p0 $0xFFFFF086;
	s6 =	sadd.s32 @!p0 s3, s7;
	s7 =	simm.s32 @!p0 $0x108  }
0x21: {  	s3 =	sadd.s32 s3, s9;
	s6 =	sadd.s32 @!p0 $0x88, s6;
	s7 =	simm.s32 @p2 $0x1082  }
0x22: {  	[simem:s7], [sflag:s8] =	dma.local @!p0 [hbm:s6], $0xF7A  }
0x23: {  	s9 =	sor.u32 $0xD0000000, s2;
	s6 =	simm.s32 $0x108;
	_ =	swait.ge @!p0 [sflag:s8], $0x0  }
0x24: {  	s3 =	sadd.s32 $0x88, s3;
	s6 =	simm.s32 @!p1 $0x1082;
	[sflag:s4] =	ssyncset.s32 $0xFFFFF086  }
0x25: {  	[simem:s6], [sflag:s4] =	dma.local [hbm:s3], $0xF7A  }
0x26: {  	[smem:$0x3F9F] =	sst s1;
	(tag) =	ssettag s2;
	_ =	strace s9  }
0x27: {  	s1 =	sld [smem:$0x3FAF]  }
0x28: {  	s2 =	sld [smem:$0x3FB0]  }
0x29: {  	s4 =	sld [smem:$0x3FB2]  }
0x2a: {  	p0 =	seq.s32 s5, $0x0;
	s5 =	sld [smem:$0x3FB3]  }
0x2b: {  	s6 =	sld [smem:$0x3FB4]  }
0x2c: {  	s7 =	sld [smem:$0x3FB5]  }
0x2d: {  	s3 =	simm.s32 $0x108;
	s8 =	sld [smem:$0x3FB6]  }
0x2e: {  	s3 =	simm.s32 @!p0 $0x1082;
	s9 =	sld [smem:$0x3FB7]  }
0x2f: {  	lr =	sadd.s32 s0, s3;
	s0 =	sld [smem:$0x3FAE]  }
0x30: {  	s3 =	sld [smem:$0x3FB1]  }
0x31: {  	[smem:$0x3FBA] =	sst s10  }
0x32: {  	s10 =	sld [smem:$0x3FB8];
	_ =	sdelay $0x3  }
0x33: {  	p0 =	seq.s32 s10, $0x1;
	s10 =	sld [smem:$0x3FBA];
	_ =	sdelay $0x3  }
0x34: {  	[smem:$0x3FBA] =	sst s10  }
0x35: {  	s10 =	sld [smem:$0x3FB9];
	_ =	sdelay $0x3  }
0x36: {  	p1 =	seq.s32 s10, $0x1;
	s10 =	sld [smem:$0x3FBA];
	_ =	sdelay $0x3  }
0x37: {  	[smem:$0x3FBA] =	sst s10  }
0x38: {  	s10 =	sld [smem:$0x3FBB]  }
0x39: {  	_ = 	snop;
	(pc) =	sbr.ind lr, $3  }
0x3a: {  	_ = 	snop  }
0x3b: {  	_ = 	snop  }
0x3c: {  	p2 =	seq.s32 s10, $0x1;
	s10 =	sld [smem:$0x3FBA]  }
0x3d: {  	_ =	shalt  }
0x3e: {  	_ =	shalt  }
0x3f: {  	_ =	shalt  }
0x40: {  	_ =	shalt  }
0x41: {  	_ =	shalt  }
0x42: {  	_ =	shalt  }
0x43: {  	_ =	shalt  }
0x44: {  	_ =	shalt  }
0x45: {  	_ =	shalt  }
0x46: {  	_ =	shalt  }
0x47: {  	_ =	shalt  }
0x48: {  	_ =	shalt  }
0x49: {  	_ =	shalt  }
0x4a: {  	_ =	shalt  }
0x4b: {  	_ =	shalt  }
0x4c: {  	_ =	shalt  }
0x4d: {  	_ =	shalt  }
0x4e: {  	_ =	shalt  }
0x4f: {  	_ =	shalt  }
0x50: {  	_ =	shalt  }
0x51: {  	_ =	shalt  }
0x52: {  	_ =	shalt  }
0x53: {  	_ =	shalt  }
0x54: {  	_ =	shalt  }
0x55: {  	_ =	shalt  }
0x56: {  	_ =	shalt  }
0x57: {  	_ =	shalt  }
0x58: {  	_ =	shalt  }
0x59: {  	_ =	shalt  }
0x5a: {  	_ =	shalt  }
0x5b: {  	_ =	shalt  }
0x5c: {  	_ =	shalt  }
0x5d: {  	_ =	shalt  }
0x5e: {  	_ =	shalt  }
0x5f: {  	_ =	shalt  }
0x60: {  	_ =	shalt  }
0x61: {  	_ =	shalt  }
0x62: {  	_ =	shalt  }
0x63: {  	_ =	shalt  }
0x64: {  	_ =	shalt  }
0x65: {  	_ =	shalt  }
0x66: {  	_ =	shalt  }
0x67: {  	_ =	shalt  }
0x68: {  	_ =	shalt  }
0x69: {  	_ =	shalt  }
0x6a: {  	_ =	shalt  }
0x6b: {  	_ =	shalt  }
0x6c: {  	_ =	shalt  }
0x6d: {  	_ =	shalt  }
0x6e: {  	_ =	shalt  }
0x6f: {  	_ =	shalt  }
0x70: {  	_ =	shalt  }
0x71: {  	_ =	shalt  }
0x72: {  	_ =	shalt  }
0x73: {  	_ =	shalt  }
0x74: {  	_ =	shalt  }
0x75: {  	_ =	shalt  }
0x76: {  	_ =	shalt  }
0x77: {  	_ =	shalt  }
0x78: {  	_ =	shalt  }
0x79: {  	_ =	shalt  }
0x7a: {  	_ =	shalt  }
0x7b: {  	_ =	shalt  }
0x7c: {  	_ =	shalt  }
0x7d: {  	_ =	shalt  }
0x7e: {  	_ =	shalt  }
0x7f: {  	_ =	shalt  }
0x80: {  	_ =	shalt  }
0x81: {  	_ =	shalt  }
0x82: {  	_ =	shalt  }
0x83: {  	_ =	shalt  }
0x84: {  	_ =	shalt  }
0x85: {  	_ =	shalt  }
0x86: {  	_ =	shalt  }
0x87: {  	_ =	shalt  }
.Lfunc_end0:
.L_simem_size_0:
called_computation_lowered:
.L_overlay_start_0:
0x88: {  	s2 =	sld [smem:$0x3FD9]  }
0x89: {  	s3 =	sld [smem:$0x3FFE];
	_ =	sdelay $0x1  }
0x8a: {  	s1 =	srdreg.scid  }
0x8b: {  	s0 =	sand.u32 $0x1, s1  }
0x8c: {  	s17 =	sshll.u32 s0, $0xA;
	s2 =	sadd.s32 s3, s2  }
0x8d: {  	s2 =	sadd.s32 s2, s17  }
0x8e: {  	[smem:$0x3FC6] =	sst s2  }
0x8f: {  	_ = 	snop  }
0x90: {  	s2 =	sld [smem:$0x3FC9]  }
0x91: {  	s18 =	sld [smem:$0x3FC8]  }
0x92: {  	s4 =	sld [smem:$0x3FD0];
	(tm) =	ssettm $0x1  }
0x93: {  	s5 =	sld [smem:$0x3FFB];
	_ =	sdelay $0x3  }
0x94: {  	_ =	strace s5  }
0x95: {  	s5 =	sld [smem:$0x3FFC];
	_ =	sdelay $0x3  }
0x96: {  	_ =	strace s5  }
0x97: {  	s5 =	sld [smem:$0x3FFD];
	_ =	sdelay $0x3  }
0x98: {  	_ =	strace s5  }
0x99: {  	_ =	strace $0x8FFFFFFF  }
0x9a: {  	s19 =	sld [smem:$0x3FDB];
	_ =	sdelay $0x1  }
0x9b: {  	s6 =	simm.s32 $_scs_section_size  }
0x9c: {  	s7 =	simm.s32 $_size__tile_overlayer_lowered;
	s8 =	simm.s32 $_tile_overlayer_lowered  }
0x9d: {  	s22 =	simm.s32 $0x1BFF;
	s21 =	sshll.u32 s8, $0x1;
	s5 =	sadd.s32 s6, s19  }
0x9e: {  	s9 =	simm.s32 $0x0;
	s20 =	sshll.u32 s7, $0x1;
	s7 =	sadd.s32 s21, s5  }
0x9f: {  	[timem:s9], [sflag:s22] =	dma.local [hbm:s7], s20  }
0xa0: {  	_ =	swait.ge [sflag:s22], s20  }
0xa1: {  	s6 =	ssub.s32 $0x0, s20;
	[sflag:s22] =	ssyncset.done $0x0  }
0xa2: {  	[sflag:s22] =	ssyncadd.s32 s6;
	_ =	sdelay $0x1  }
0xa3: {  	s23 =	simm.s32 $0x1B8B  }
0xa4: {  	_ =	swait.ge [sflag:s23], $0x1  }
0xa5: {  	[sflag:s23] =	ssyncset.done $0x0  }
0xa6: {  	s25 =	simm.s32 $0x1B8E;
	s24 =	sld [smem:$0x3FFE];
	[sflag:s23] =	ssyncadd.s32 $0xFFFFFFFF  }
0xa7: {  	s26 =	simm.s32 $execute0_lowered;
	[smem:$0x3FD2] =	sst s25  }
0xa8: {  	s7 =	sshll.u32 s26, $0x1;
	_ =	strace $0x80000046;
	[dreg:$0x1] =	wrdreg $0xFFFFFFFF  }
0xa9: {  	s28 =	simm.s32 $_size_execute0_lowered;
	s5 =	sadd.s32 s5, s7;
	[dreg:$0x0] =	wrdreg $0x0  }
0xaa: {  	s7 =	sshll.u32 s28, $0x1;
	[dreg:$0x2] =	wrdreg s5  }
0xab: {  	[dreg:$0x3] =	wrdreg s7  }
0xac: {  	[dreg:$0x4] =	wrdreg $0xC0  }
0xad: {  	_ =	task [dreg:s9], $0x5FFFF  }
0xae: {  	[dreg:$0x1] =	wrdreg $0xFFFFFFFF  }
0xaf: {  	[dreg:$0x0] =	wrdreg $0x60  }
0xb0: {  	[dreg:$0x2] =	wrdreg s2  }
0xb1: {  	[dreg:$0x3] =	wrdreg s18  }
0xb2: {  	[dreg:$0x4] =	wrdreg s4  }
0xb3: {  	[dreg:$0x5] =	wrdreg s24  }
0xb4: {  	[dreg:$0x6] =	wrdreg $0xA2000  }
0xb5: {  	[dreg:$0x7] =	wrdreg $0x9  }
0xb6: {  	_ =	task.clear_ibuf [dreg:s9], $0x8FFFF;
	_ =	strace $0x90000046  }
0xb7: {  	s29 =	simm.s32 $0x9;
	_ =	strace $0x80000048  }
0xb8: {  	_ =	swait.ge [sflag:s29], $0x1  }
0xb9: {  	[sflag:s29] =	ssyncadd.s32 $0xFFFFFFFF  }
0xba: {  	_ =	strace $0x90000048  }
0xbb: {  	_ =	sfence  }
0xbc: {  	s30 =	sld [smem:$0x0];
	_ =	sdelay $0x2  }
0xbd: {  	s31 =	sshll.u32 s1, $0xD;
	s1 =	sshrl.u32 s1, $0x2  }
0xbe: {  	s3 =	sand.u32 $0x4000, s31;
	s1 =	sadd.s32 s1, s30  }
0xbf: {  	s0 =	sor.u32 s3, s0;
	s1 =	sshll.u32 s1, $0x11  }
0xc0: {  	s0 =	sor.u32 s1, s0  }
0xc1: {  	s0 =	sadd.s32 $0x8F2B, s0  }
0xc2: {  	[sflag:s0] =	ssyncadd.remote.s32 $0x1  }
0xc3: {  	_ =	sfence.sel $0xFFFF  }
0xc4: {  	[dreg:$0x0] =	wrdreg $0xFFFFFFFF;
	(pc) =	sbr.abs _section_cstart, $3  }
0xc5: {  	[dreg:$0x1] =	wrdreg $0xFFFFFFFF  }
0xc6: {  	_ =	task.clear_ibuf [dreg:s9], $0x2FFFF;
	_ =	strace $0x9FFFFFFF  }
0xc7: {  	(tm) =	ssettm $0x7FFFFFFF  }
tec
execute0_lowered:
.L_overlay_start_1:
0x0: {  	(tag) =	ssettag $0x1  }
0x1: {  	s1 =	rddreg [dreg:$0x0]  }
0x2: {  	s0 =	rddreg [dreg:$0x1];
	s6 =	stileid.u32  }
0x3: {  	s2 =	srdreg.scid;
	s25 =	smul.u32 $0x27, s6  }
0x4: {  	s5 =	rddreg [dreg:$0x3];
	s2 =	sand.u32 $0x1, s2;
	s26 =	smul.u32 $0xC300, s6  }
0x5: {  	s3 =	rddreg [dreg:$0x4];
	s4 =	sshll.u32 s2, $0x4;
	s19 =	smul.u32 $0xC300, s2  }
0x6: {  	s9 =	ssub.s32 $0x2, s2;
	s10 =	sshll.u32 s2, $0xA;
	s23 =	smul.u32 $0x270, s2  }
0x7: {  	s2 =	smul.u32 $0xC3000, s2;
	s7 =	sor.u32 s6, s4;
	s4 =	simm.s32 $0x0  }
0x8: {  	s11 =	sshrl.u32 s9, $0x1;
	s10 =	sadd.s32 s10, s5;
	s5 =	simm.s32 $0x28  }
0x9: {  	s8 =	smul.u32 $0x27, s7;
	[smem:$0x7FF] =	sst s4;
	s13 =	smin.u32 s7, $0x2  }
0xa: {  	s11 =	ssub.s32 s9, s11;
	p0 =	slt.u32 s7, $0x2;
	s22 =	sadd.s32 $0x800, s10  }
0xb: {  	_ =	strace $0x80000047;
	s5 =	simm.s32 @!p0 $0x27;
	s17 =	smul.u32 $0x500, s13  }
0xc: {  	[dreg:$0xc] =	wrdreg s22;
	s24 =	smax.u32 s11, $0x1;
	s8 =	sadd.s32 s13, s8  }
0xd: {  	p0 =	sne.s32 s6, $0x0;
	s20 =	sadd.s32 $0xFFFFFFFC, s5;
	s12 =	smul.u32 $0xA, s8  }
0xe: {  	s21 =	sadd.s32 $0xFFFFFFFB, s5;
	[dreg:$0xd] =	wrdreg s24;
	s30 =	smul.u32 $0x50, s8  }
0xf: {  	s24 =	simm.s32 $0x7;
	s31 =	smul.u32 $0x500, s8;
	[dreg:$0x6] =	wrdreg s20  }
0x10: {  	[dreg:$0x7] =	wrdreg s21;
	s14 =	sadd.s32 s0, s12;
	s15 =	sadd.s32 $0x50, s30  }
0x11: {  	s7 =	sadd.s32 s1, s31;
	s12 =	sadd.s32 s17, s1;
	[dreg:$0x8] =	wrdreg s14  }
0x12: {  	[dreg:$0x9] =	wrdreg s7;
	s16 =	sshrl.u32 s15, $0x3;
	s14 =	smul.u32 $0xC30, s6  }
0x13: {  	s18 =	sshll.u32 s15, $0x4;
	s15 =	smul.u32 $0x50, s13;
	s7 =	sadd.s32 s0, s16  }
0x14: {  	[dreg:$0xa] =	wrdreg s7;
	s7 =	sadd.s32 s1, s18;
	s8 =	sadd.s32 s14, s19  }
0x15: {  	s18 =	sshrl.u32 @!p0 s3, $0x3;
	[dreg:$0xb] =	wrdreg s7;
	s7 =	sor.u32 s23, s13  }
0x16: {  	s8 =	sadd.s32 s15, s8;
	s13 =	sadd.s32 s26, s2;
	s1 =	sadd.s32 s25, s7  }
0x17: {  	s26 =	simm.s32 $0x0;
	s28 =	sadd.s32 $0x190, s8;
	s1 =	smul.u32 $0xA, s1  }
0x18: {  	s29 =	sadd.s32 $0xF0, s8;
	s16 =	sadd.s32 $0x140, s8;
	s25 =	simm.s32 $0x8  }
0x19: {  	s30 =	sshrl.u32 s28, $0x3;
	s31 =	sshrl.u32 s29, $0x3;
	s1 =	sadd.s32 s1, s0  }
0x1a: {  	s14 =	sadd.s32 s30, s0;
	s15 =	sadd.s32 s31, s0;
	s17 =	sadd.s32 $0x14, s1  }
.LBB2_1:
0x1b: {  	s1 =	simm.s32 @!p0 $0x1C09;
	s2 =	rddreg [dreg:$0x2]  }
0x1c: {  	[spmem:s18], [sflag:s1] =	dma.local @!p0 [hbm:s2], $0x400  }
0x1d: {  	s1 =	simm.s32 @!p0 $0x9  }
0x1e: {  	_ =	swait.ge @!p0 [sflag:s1], $0x400  }
0x1f: {  	[sflag:s1] =	ssyncset.done @!p0 $0x0  }
0x20: {  	[sflag:s1] =	ssyncadd.s32 @!p0 $0xFFFFFC00  }
0x21: {  	[bflag:$0x0] =	sbarrier.arrive $0xFFFF  }
0x22: {  	s9 =	simm.s32 $0xA000;
	p1 =	por $0x1, $0x1;
	s8 =	rddreg [dreg:$0x8]  }
0x23: {  	[tilespmem:s9], [sflag:$0x1] =	stream.linear.gather [hbm4b:s8+s4], $0x50, $0x38;
	[tilespmem:$0xA400] =	vst v63  }
0x24: {  	p2 =	sle.u32 @!p1 s5, $0x2;
	s10 =	rddreg [dreg:$0x9]  }
0x25: {  	[tilespmem:s4], [sflag:$0x1] =	stream.linear.gather [hbm4b:s10+s4], $0x2800, $0x38;
	[tilespmem:$0xA400] =	vst v63  }
0x26: {  	s19 =	simm.s32 $0xA080;
	p4 =	por p2, p1;
	s11 =	rddreg [dreg:$0xa]  }
0x27: {  	[tilespmem:s19], [sflag:$0x2] =	stream.linear.gather [hbm4b:s11+s4], $0x50, $0x38;
	[tilespmem:$0xA400] =	vst v63  }
0x28: {  	s21 =	simm.s32 $0x2800;
	s1 =	simm.s32 @!p4 $0x7;
	s20 =	rddreg [dreg:$0xb]  }
0x29: {  	[tilespmem:s21], [sflag:$0x2] =	stream.linear.gather [hbm4b:s20+s4], $0x2800, $0x38;
	[tilespmem:$0xA400] =	vst v63  }
0x2a: {  	p2 =	sle.u32 s5, $0x2;
	_ =	swait.ge @!p4 [sflag:s1], $0x2800  }
0x2b: {  	p3 =	sle.u32 s5, $0x0;
	s7 =	simm.s32 @!p2 $0x0;
	[sflag:s1] =	ssyncset.done @!p4 $0x0  }
0x2c: {  	s2 =	simm.s32 @!p2 $0xA100;
	[sflag:s1] =	ssyncadd.s32 @!p4 $0xFFFFD800;
	s1 =	sadd.s32 @!p2 s13, s12  }
0x2d: {  	[tilespmem:s2], [sflag:$0x3] =	stream.linear.gather @!p2 [hbm4b:s17+s7], $0x50, $0x38;
	[tilespmem:$0xA400] =	vst v63  }
0x2e: {  	s6 =	simm.s32 @!p2 $0x5000;
	s8 =	simm.s32 @!p3 $0x1;
	s1 =	sadd.s32 @!p2 $0xA00, s1  }
0x2f: {  	[tilespmem:s6], [sflag:$0x3] =	stream.linear.gather @!p2 [hbm4b:s1+s7], $0x2800, $0x38;
	[tilespmem:$0xA400] =	vst v63  }
0x30: {  	_ =	swait.ge @!p3 [sflag:s8], $0x50  }
0x31: {  	[sflag:s8] =	ssyncset.done @!p3 $0x0  }
0x32: {  	[sflag:s8] =	ssyncadd.s32 @!p3 $0xFFFFFFB0  }
0x33: {  	s19 =	simm.s32 @!p3 $0xA000;
	p4 =	sle.u32 @!p1 s5, $0x3;
	_ =	swait.ge @!p3 [sflag:s8], $0x2800  }
0x34: {  	p4 =	por p4, p1;
	s1 =	simm.s32 @!p3 $0x0;
	[sflag:s8] =	ssyncset.done @!p3 $0x0  }
0x35: {  	s7 =	simm.s32 @!p3 $0x50;
	[sflag:s8] =	ssyncadd.s32 @!p3 $0xFFFFD800;
	s8 =	simm.s32 @!p4 $0x8  }
0x36: {  	[spmem:s3] =	stream.indirect.scatter.add.f32 @!p3 [tilespmem:s1], [sflag:$0x5], $0x80, s19, s7, $0xb8;
	[tilespmem:$0xA400] =	vst v63  }
0x37: {  	p1 =	sle.u32 s5, $0x3;
	_ =	swait.ge @!p4 [sflag:s8], $0x2800  }
0x38: {  	s7 =	simm.s32 @!p1 $0x0;
	s1 =	simm.s32 @!p1 $0xA180;
	[sflag:s8] =	ssyncset.done @!p4 $0x0  }
0x39: {  	p3 =	sle.u32 s5, $0x1;
	[sflag:s8] =	ssyncadd.s32 @!p4 $0xFFFFD800;
	s8 =	sadd.s32 @!p1 s13, s12  }
0x3a: {  	[tilespmem:s1], [sflag:$0x4] =	stream.linear.gather @!p1 [hbm4b:s15+s7], $0x50, $0x38;
	[tilespmem:$0xA400] =	vst v63  }
0x3b: {  	s21 =	simm.s32 @!p1 $0x7800;
	s19 =	simm.s32 @!p3 $0x2;
	s8 =	sadd.s32 @!p1 $0xF00, s8  }
0x3c: {  	[tilespmem:s21], [sflag:$0x4] =	stream.linear.gather @!p1 [hbm4b:s8+s7], $0x2800, $0x38;
	[tilespmem:$0xA400] =	vst v63  }
0x3d: {  	_ =	swait.ge @!p3 [sflag:s19], $0x50  }
0x3e: {  	[sflag:s19] =	ssyncset.done @!p3 $0x0  }
0x3f: {  	[sflag:s19] =	ssyncadd.s32 @!p3 $0xFFFFFFB0  }
0x40: {  	_ =	swait.ge @!p3 [sflag:s19], $0x2800  }
0x41: {  	s20 =	simm.s32 @!p3 $0xA080;
	s7 =	simm.s32 @!p3 $0x2800;
	[sflag:s19] =	ssyncset.done @!p3 $0x0  }
0x42: {  	s22 =	rddreg [dreg:$0x6];
	[sflag:s19] =	ssyncadd.s32 @!p3 $0xFFFFD800;
	s19 =	simm.s32 @!p3 $0x50  }
0x43: {  	[spmem:s3] =	stream.indirect.scatter.add.f32 @!p3 [tilespmem:s7], [sflag:$0x6], $0x80, s20, s19, $0xb8;
	[tilespmem:$0xA400] =	vst v63  }
0x44: {  	p3 =	sle.u32 s22, $0x0  }
0x45: {  	s7 =	simm.s32 @!p3 $0x5  }
0x46: {  	s8 =	sshrl.u32 @!p3 s16, $0x3;
	_ =	swait.ge @!p3 [sflag:s7], $0x2800  }
0x47: {  	s19 =	sadd.s32 @!p3 s13, s12;
	s20 =	simm.s32 @!p3 $0x0;
	[sflag:s7] =	ssyncset.done @!p3 $0x0  }
0x48: {  	s28 =	simm.s32 @!p3 $0xA000;
	s8 =	sadd.s32 @!p3 s0, s8;
	[sflag:s7] =	ssyncadd.s32 @!p3 $0xFFFFD800  }
0x49: {  	[tilespmem:s28], [sflag:$0x1] =	stream.linear.gather @!p3 [hbm4b:s8+s20], $0x50, $0x38;
	[tilespmem:$0xA400] =	vst v63  }
0x4a: {  	s7 =	sadd.s32 @!p3 $0x1400, s19;
	s8 =	simm.s32 @!p2 $0x3  }
0x4b: {  	[tilespmem:s20], [sflag:$0x1] =	stream.linear.gather @!p3 [hbm4b:s7+s20], $0x2800, $0x38;
	[tilespmem:$0xA400] =	vst v63  }
0x4c: {  	_ =	swait.ge @!p2 [sflag:s8], $0x50  }
0x4d: {  	[sflag:s8] =	ssyncset.done @!p2 $0x0  }
0x4e: {  	[sflag:s8] =	ssyncadd.s32 @!p2 $0xFFFFFFB0  }
0x4f: {  	_ =	swait.ge @!p2 [sflag:s8], $0x2800  }
0x50: {  	[sflag:s8] =	ssyncset.done @!p2 $0x0  }
0x51: {  	s23 =	rddreg [dreg:$0x7];
	[sflag:s8] =	ssyncadd.s32 @!p2 $0xFFFFD800;
	s8 =	simm.s32 @!p2 $0x50  }
0x52: {  	[spmem:s3] =	stream.indirect.scatter.add.f32 @!p2 [tilespmem:s6], [sflag:$0x7], $0x80, s2, s8, $0xb8;
	[tilespmem:$0xA400] =	vst v63  }
0x53: {  	p2 =	sle.u32 s23, $0x0  }
0x54: {  	s2 =	simm.s32 @!p2 $0x6  }
0x55: {  	s31 =	sadd.s32 $0x140, s16;
	_ =	swait.ge @!p2 [sflag:s2], $0x2800  }
0x56: {  	s29 =	sadd.s32 $0x28, s14;
	s6 =	sadd.s32 @!p2 s13, s12;
	[sflag:s2] =	ssyncset.done @!p2 $0x0  }
0x57: {  	s7 =	simm.s32 @!p2 $0x0;
	s8 =	simm.s32 @!p2 $0xA080;
	[sflag:s2] =	ssyncadd.s32 @!p2 $0xFFFFD800  }
0x58: {  	[tilespmem:s8], [sflag:$0x2] =	stream.linear.gather @!p2 [hbm4b:s14+s7], $0x50, $0x38;
	[tilespmem:$0xA400] =	vst v63  }
0x59: {  	s2 =	sadd.s32 @!p2 $0x1900, s6;
	s6 =	simm.s32 @!p1 $0x4;
	s8 =	simm.s32 @!p2 $0x2800  }
0x5a: {  	[tilespmem:s8], [sflag:$0x2] =	stream.linear.gather @!p2 [hbm4b:s2+s7], $0x2800, $0x38;
	[tilespmem:$0xA400] =	vst v63  }
0x5b: {  	s30 =	sadd.s32 $0x1400, s13;
	p4 =	por $0x0, $0x0;
	_ =	swait.ge @!p1 [sflag:s6], $0x50  }
0x5c: {  	s19 =	sadd.s32 $0x28, s17;
	s28 =	simm.s32 $0x4;
	[sflag:s6] =	ssyncset.done @!p1 $0x0  }
0x5d: {  	s20 =	simm.s32 $0x8;
	s2 =	sadd.s32 $0x28, s15;
	[sflag:s6] =	ssyncadd.s32 @!p1 $0xFFFFFFB0  }
0x5e: {  	s7 =	simm.s32 $0x6;
	p2 =	sle.u32 @!p4 s5, $0x6;
	_ =	swait.ge @!p1 [sflag:s6], $0x2800  }
0x5f: {  	s8 =	simm.s32 @!p1 $0x50;
	p5 =	por p2, p4;
	[sflag:s6] =	ssyncset.done @!p1 $0x0  }
.LBB2_2:
0x60: {  	s9 =	simm.s32 @!p5 $0x7;
	[sflag:s6] =	ssyncadd.s32 @!p1 $0xFFFFD800  }
0x61: {  	[spmem:s3] =	stream.indirect.scatter.add.f32 @!p1 [tilespmem:s21], [sflag:$0x8], $0x80, s1, s8, $0xb8;
	[tilespmem:$0xA400] =	vst v63  }
0x62: {  	p3 =	sge.u32 s7, s5;
	_ =	swait.ge @!p5 [sflag:s9], $0x2800  }
0x63: {  	p1 =	sge.u32 s28, s5;
	s1 =	simm.s32 @!p3 $0x0;
	[sflag:s9] =	ssyncset.done @!p5 $0x0  }
0x64: {  	s7 =	simm.s32 @!p3 $0xA100;
	[sflag:s9] =	ssyncadd.s32 @!p5 $0xFFFFD800;
	s9 =	sadd.s32 @!p3 s30, s12  }
0x65: {  	[tilespmem:s7], [sflag:$0x3] =	stream.linear.gather @!p3 [hbm4b:s19+s1], $0x50, $0x38;
	[tilespmem:$0xA400] =	vst v63  }
0x66: {  	s8 =	simm.s32 @!p3 $0x5000;
	s21 =	simm.s32 @!p1 $0x1;
	s9 =	sadd.s32 @!p3 $0xA00, s9  }
0x67: {  	[tilespmem:s8], [sflag:$0x3] =	stream.linear.gather @!p3 [hbm4b:s9+s1], $0x2800, $0x38;
	[tilespmem:$0xA400] =	vst v63  }
0x68: {  	_ =	swait.ge @!p1 [sflag:s21], $0x50  }
0x69: {  	[sflag:s21] =	ssyncset.done @!p1 $0x0  }
0x6a: {  	s1 =	sadd.s32 $0x3, s28;
	[sflag:s21] =	ssyncadd.s32 @!p1 $0xFFFFFFB0  }
0x6b: {  	s10 =	simm.s32 @!p1 $0x50;
	p5 =	sge.u32 @!p4 s1, s5;
	_ =	swait.ge @!p1 [sflag:s21], $0x2800  }
0x6c: {  	s11 =	simm.s32 @!p1 $0xA000;
	p4 =	por p5, p4;
	[sflag:s21] =	ssyncset.done @!p1 $0x0  }
0x6d: {  	s9 =	simm.s32 @!p1 $0x0;
	[sflag:s21] =	ssyncadd.s32 @!p1 $0xFFFFD800;
	s21 =	simm.s32 @!p4 $0x8  }
0x6e: {  	[spmem:s3] =	stream.indirect.scatter.add.f32 @!p1 [tilespmem:s9], [sflag:$0x5], $0x80, s11, s10, $0xb8;
	[tilespmem:$0xA400] =	vst v63  }
0x6f: {  	s22 =	sadd.s32 $0x1, s28;
	p1 =	sge.u32 s1, s5;
	_ =	swait.ge @!p4 [sflag:s21], $0x2800  }
0x70: {  	s10 =	simm.s32 @!p1 $0x0;
	s1 =	simm.s32 @!p1 $0xA180;
	[sflag:s21] =	ssyncset.done @!p4 $0x0  }
0x71: {  	s11 =	sadd.s32 @!p1 s30, s12;
	[sflag:s21] =	ssyncadd.s32 @!p4 $0xFFFFD800;
	p4 =	sge.u32 s22, s5  }
0x72: {  	[tilespmem:s1], [sflag:$0x4] =	stream.linear.gather @!p1 [hbm4b:s2+s10], $0x50, $0x38;
	[tilespmem:$0xA400] =	vst v63  }
0x73: {  	s9 =	sadd.s32 @!p1 $0xF00, s11;
	s21 =	simm.s32 @!p1 $0x7800;
	s11 =	simm.s32 @!p4 $0x2  }
0x74: {  	[tilespmem:s21], [sflag:$0x4] =	stream.linear.gather @!p1 [hbm4b:s9+s10], $0x2800, $0x38;
	[tilespmem:$0xA400] =	vst v63  }
0x75: {  	_ =	swait.ge @!p4 [sflag:s11], $0x50  }
0x76: {  	[sflag:s11] =	ssyncset.done @!p4 $0x0  }
0x77: {  	[sflag:s11] =	ssyncadd.s32 @!p4 $0xFFFFFFB0  }
0x78: {  	_ =	swait.ge @!p4 [sflag:s11], $0x2800  }
0x79: {  	s22 =	simm.s32 @!p4 $0xA080;
	s9 =	simm.s32 @!p4 $0x2800;
	[sflag:s11] =	ssyncset.done @!p4 $0x0  }
0x7a: {  	s23 =	rddreg [dreg:$0x6];
	[sflag:s11] =	ssyncadd.s32 @!p4 $0xFFFFD800;
	s11 =	simm.s32 @!p4 $0x50  }
0x7b: {  	[spmem:s3] =	stream.indirect.scatter.add.f32 @!p4 [tilespmem:s9], [sflag:$0x6], $0x80, s22, s11, $0xb8;
	[tilespmem:$0xA400] =	vst v63  }
0x7c: {  	p4 =	sge.u32 s28, s23  }
0x7d: {  	s9 =	simm.s32 @!p4 $0x5  }
0x7e: {  	s10 =	sshrl.u32 @!p4 s31, $0x3;
	_ =	swait.ge @!p4 [sflag:s9], $0x2800  }
0x7f: {  	s11 =	sadd.s32 @!p4 s30, s12;
	s22 =	simm.s32 @!p4 $0x0;
	[sflag:s9] =	ssyncset.done @!p4 $0x0  }
0x80: {  	s23 =	simm.s32 @!p4 $0xA000;
	s10 =	sadd.s32 @!p4 s0, s10;
	[sflag:s9] =	ssyncadd.s32 @!p4 $0xFFFFD800  }
0x81: {  	[tilespmem:s23], [sflag:$0x1] =	stream.linear.gather @!p4 [hbm4b:s10+s22], $0x50, $0x38;
	[tilespmem:$0xA400] =	vst v63  }
0x82: {  	s11 =	sadd.s32 @!p4 $0x1400, s11;
	s9 =	simm.s32 @!p3 $0x3  }
0x83: {  	[tilespmem:s22], [sflag:$0x1] =	stream.linear.gather @!p4 [hbm4b:s11+s22], $0x2800, $0x38;
	[tilespmem:$0xA400] =	vst v63  }
0x84: {  	_ =	swait.ge @!p3 [sflag:s9], $0x50  }
0x85: {  	[sflag:s9] =	ssyncset.done @!p3 $0x0  }
0x86: {  	[sflag:s9] =	ssyncadd.s32 @!p3 $0xFFFFFFB0  }
0x87: {  	_ =	swait.ge @!p3 [sflag:s9], $0x2800  }
0x88: {  	[sflag:s9] =	ssyncset.done @!p3 $0x0  }
0x89: {  	s23 =	rddreg [dreg:$0x7];
	[sflag:s9] =	ssyncadd.s32 @!p3 $0xFFFFD800;
	s9 =	simm.s32 @!p3 $0x50  }
0x8a: {  	[spmem:s3] =	stream.indirect.scatter.add.f32 @!p3 [tilespmem:s8], [sflag:$0x7], $0x80, s7, s9, $0xb8;
	[tilespmem:$0xA400] =	vst v63  }
0x8b: {  	s6 =	smov.u32 s20;
	p3 =	sge.u32 s28, s23  }
0x8c: {  	s20 =	sadd.s32 $0x4, s20;
	s28 =	smov.u32 s6;
	s6 =	simm.s32 @!p3 $0x6  }
0x8d: {  	p2 =	sne.s32 s20, $0x28;
	_ =	swait.ge @!p3 [sflag:s6], $0x2800  }
0x8e: {  	s19 =	sadd.s32 $0x28, s19;
	s7 =	sadd.s32 @!p3 s30, s12;
	[sflag:s6] =	ssyncset.done @!p3 $0x0  }
0x8f: {  	s8 =	simm.s32 @!p3 $0x0;
	s9 =	simm.s32 @!p3 $0xA080;
	[sflag:s6] =	ssyncadd.s32 @!p3 $0xFFFFD800  }
0x90: {  	[tilespmem:s9], [sflag:$0x2] =	stream.linear.gather @!p3 [hbm4b:s29+s8], $0x50, $0x38;
	[tilespmem:$0xA400] =	vst v63  }
0x91: {  	s10 =	simm.s32 @!p3 $0x2800;
	s7 =	sadd.s32 @!p3 $0x1900, s7;
	s6 =	simm.s32 @!p1 $0x4  }
0x92: {  	[tilespmem:s10], [sflag:$0x2] =	stream.linear.gather @!p3 [hbm4b:s7+s8], $0x2800, $0x38;
	[tilespmem:$0xA400] =	vst v63  }
.Ltmp0:
0x93: {  	s2 =	sadd.s32 $0x28, s2;
	_ =	swait.ge @!p1 [sflag:s6], $0x50;
	(pc) =	sbr.rel @p2 .LBB2_2-.Ltmp0, $4  }
0x94: {  	s31 =	sadd.s32 $0x140, s31;
	p4 =	seq.s32 s28, $0x0;
	[sflag:s6] =	ssyncset.done @!p1 $0x0  }
0x95: {  	s30 =	sadd.s32 $0x1400, s30;
	s7 =	sadd.s32 $0x2, s28;
	[sflag:s6] =	ssyncadd.s32 @!p1 $0xFFFFFFB0  }
0x96: {  	s29 =	sadd.s32 $0x28, s29;
	p3 =	sge.u32 @!p4 s7, s5;
	_ =	swait.ge @!p1 [sflag:s6], $0x2800  }
0x97: {  	s8 =	simm.s32 @!p1 $0x50;
	p5 =	por p3, p4;
	[sflag:s6] =	ssyncset.done @!p1 $0x0  }
0x98: {  	s9 =	simm.s32 @!p5 $0x7;
	[sflag:s6] =	ssyncadd.s32 @!p1 $0xFFFFD800  }
0x99: {  	[spmem:s3] =	stream.indirect.scatter.add.f32 @!p1 [tilespmem:s21], [sflag:$0x8], $0x80, s1, s8, $0xb8;
	[tilespmem:$0xA400] =	vst v63  }
0x9a: {  	p1 =	sge.u32 s7, s5;
	_ =	swait.ge @!p5 [sflag:s9], $0x2800  }
0x9b: {  	p2 =	sge.u32 s28, s5;
	s7 =	simm.s32 @!p1 $0x0;
	[sflag:s9] =	ssyncset.done @!p5 $0x0  }
0x9c: {  	s1 =	simm.s32 @!p1 $0xA100;
	s8 =	sadd.s32 @!p1 s30, s12;
	[sflag:s9] =	ssyncadd.s32 @!p5 $0xFFFFD800  }
0x9d: {  	[tilespmem:s1], [sflag:$0x3] =	stream.linear.gather @!p1 [hbm4b:s19+s7], $0x50, $0x38;
	[tilespmem:$0xA400] =	vst v63  }
0x9e: {  	s6 =	simm.s32 @!p1 $0x5000;
	s8 =	sadd.s32 @!p1 $0xA00, s8;
	s9 =	simm.s32 @!p2 $0x1  }
0x9f: {  	[tilespmem:s6], [sflag:$0x3] =	stream.linear.gather @!p1 [hbm4b:s8+s7], $0x2800, $0x38;
	[tilespmem:$0xA400] =	vst v63  }
0xa0: {  	_ =	swait.ge @!p2 [sflag:s9], $0x50  }
0xa1: {  	[sflag:s9] =	ssyncset.done @!p2 $0x0  }
0xa2: {  	s7 =	sadd.s32 $0x3, s28;
	[sflag:s9] =	ssyncadd.s32 @!p2 $0xFFFFFFB0  }
0xa3: {  	s10 =	simm.s32 @!p2 $0x50;
	p3 =	sge.u32 @!p4 s7, s5;
	_ =	swait.ge @!p2 [sflag:s9], $0x2800  }
0xa4: {  	s11 =	simm.s32 @!p2 $0xA000;
	p3 =	por p3, p4;
	[sflag:s9] =	ssyncset.done @!p2 $0x0  }
0xa5: {  	s8 =	simm.s32 @!p2 $0x0;
	[sflag:s9] =	ssyncadd.s32 @!p2 $0xFFFFD800;
	s9 =	simm.s32 @!p3 $0x8  }
0xa6: {  	[spmem:s3] =	stream.indirect.scatter.add.f32 @!p2 [tilespmem:s8], [sflag:$0x5], $0x80, s11, s10, $0xb8;
	[tilespmem:$0xA400] =	vst v63  }
0xa7: {  	s21 =	sadd.s32 $0x1, s28;
	p2 =	sge.u32 s7, s5;
	_ =	swait.ge @!p3 [sflag:s9], $0x2800  }
0xa8: {  	s10 =	simm.s32 @!p2 $0x0;
	s7 =	simm.s32 @!p2 $0xA180;
	[sflag:s9] =	ssyncset.done @!p3 $0x0  }
0xa9: {  	[sflag:s9] =	ssyncadd.s32 @!p3 $0xFFFFD800;
	s9 =	sadd.s32 @!p2 s30, s12;
	p3 =	sge.u32 s21, s5  }
0xaa: {  	[tilespmem:s7], [sflag:$0x4] =	stream.linear.gather @!p2 [hbm4b:s2+s10], $0x50, $0x38;
	[tilespmem:$0xA400] =	vst v63  }
0xab: {  	s8 =	simm.s32 @!p2 $0x7800;
	s2 =	sadd.s32 @!p2 $0xF00, s9;
	s9 =	simm.s32 @!p3 $0x2  }
0xac: {  	[tilespmem:s8], [sflag:$0x4] =	stream.linear.gather @!p2 [hbm4b:s2+s10], $0x2800, $0x38;
	[tilespmem:$0xA400] =	vst v63  }
0xad: {  	_ =	swait.ge @!p3 [sflag:s9], $0x50  }
0xae: {  	[sflag:s9] =	ssyncset.done @!p3 $0x0  }
0xaf: {  	[sflag:s9] =	ssyncadd.s32 @!p3 $0xFFFFFFB0  }
0xb0: {  	_ =	swait.ge @!p3 [sflag:s9], $0x2800  }
0xb1: {  	s11 =	simm.s32 @!p3 $0xA080;
	s2 =	simm.s32 @!p3 $0x2800;
	[sflag:s9] =	ssyncset.done @!p3 $0x0  }
0xb2: {  	s22 =	rddreg [dreg:$0x6];
	[sflag:s9] =	ssyncadd.s32 @!p3 $0xFFFFD800;
	s9 =	simm.s32 @!p3 $0x50  }
0xb3: {  	[spmem:s3] =	stream.indirect.scatter.add.f32 @!p3 [tilespmem:s2], [sflag:$0x6], $0x80, s11, s9, $0xb8;
	[tilespmem:$0xA400] =	vst v63  }
0xb4: {  	p3 =	sge.u32 s28, s22  }
0xb5: {  	s2 =	simm.s32 @!p3 $0x5  }
0xb6: {  	s9 =	sshrl.u32 @!p3 s31, $0x3;
	_ =	swait.ge @!p3 [sflag:s2], $0x2800  }
0xb7: {  	s10 =	sadd.s32 @!p3 s30, s12;
	s11 =	simm.s32 @!p3 $0x0;
	[sflag:s2] =	ssyncset.done @!p3 $0x0  }
0xb8: {  	s19 =	simm.s32 @!p3 $0xA000;
	s9 =	sadd.s32 @!p3 s0, s9;
	[sflag:s2] =	ssyncadd.s32 @!p3 $0xFFFFD800  }
0xb9: {  	[tilespmem:s19], [sflag:$0x1] =	stream.linear.gather @!p3 [hbm4b:s9+s11], $0x50, $0x38;
	[tilespmem:$0xA400] =	vst v63  }
0xba: {  	s2 =	sadd.s32 @!p3 $0x1400, s10;
	s9 =	simm.s32 @!p1 $0x3  }
0xbb: {  	[tilespmem:s11], [sflag:$0x1] =	stream.linear.gather @!p3 [hbm4b:s2+s11], $0x2800, $0x38;
	[tilespmem:$0xA400] =	vst v63  }
0xbc: {  	_ =	swait.ge @!p1 [sflag:s9], $0x50  }
0xbd: {  	[sflag:s9] =	ssyncset.done @!p1 $0x0  }
0xbe: {  	[sflag:s9] =	ssyncadd.s32 @!p1 $0xFFFFFFB0  }
0xbf: {  	_ =	swait.ge @!p1 [sflag:s9], $0x2800  }
0xc0: {  	[sflag:s9] =	ssyncset.done @!p1 $0x0  }
0xc1: {  	s23 =	rddreg [dreg:$0x7];
	[sflag:s9] =	ssyncadd.s32 @!p1 $0xFFFFD800;
	s9 =	simm.s32 @!p1 $0x50  }
0xc2: {  	[spmem:s3] =	stream.indirect.scatter.add.f32 @!p1 [tilespmem:s6], [sflag:$0x7], $0x80, s1, s9, $0xb8;
	[tilespmem:$0xA400] =	vst v63  }
0xc3: {  	p1 =	sge.u32 s28, s23  }
0xc4: {  	s1 =	simm.s32 @!p1 $0x6  }
0xc5: {  	_ =	swait.ge @!p1 [sflag:s1], $0x2800  }
0xc6: {  	s2 =	sadd.s32 @!p1 s30, s12;
	[sflag:s1] =	ssyncset.done @!p1 $0x0  }
0xc7: {  	s6 =	simm.s32 @!p1 $0x0;
	s9 =	simm.s32 @!p1 $0xA080;
	[sflag:s1] =	ssyncadd.s32 @!p1 $0xFFFFD800  }
0xc8: {  	[tilespmem:s9], [sflag:$0x2] =	stream.linear.gather @!p1 [hbm4b:s29+s6], $0x50, $0x38;
	[tilespmem:$0xA400] =	vst v63  }
0xc9: {  	s1 =	sadd.s32 @!p1 $0x1900, s2;
	s2 =	simm.s32 @!p1 $0x2800;
	s9 =	simm.s32 @!p2 $0x4  }
0xca: {  	[tilespmem:s2], [sflag:$0x2] =	stream.linear.gather @!p1 [hbm4b:s1+s6], $0x2800, $0x38;
	[tilespmem:$0xA400] =	vst v63  }
0xcb: {  	_ =	swait.ge @!p2 [sflag:s9], $0x50  }
0xcc: {  	[sflag:s9] =	ssyncset.done @!p2 $0x0  }
0xcd: {  	[sflag:s9] =	ssyncadd.s32 @!p2 $0xFFFFFFB0  }
0xce: {  	_ =	swait.ge @!p2 [sflag:s9], $0x2800  }
0xcf: {  	[sflag:s9] =	ssyncset.done @!p2 $0x0  }
0xd0: {  	s29 =	simm.s32 $0x5;
	s1 =	simm.s32 @!p2 $0x50;
	[sflag:s9] =	ssyncadd.s32 @!p2 $0xFFFFD800  }
0xd1: {  	[spmem:s3] =	stream.indirect.scatter.add.f32 @!p2 [tilespmem:s8], [sflag:$0x8], $0x80, s7, s1, $0xb8;
	[tilespmem:$0xA400] =	vst v63  }
0xd2: {  	_ =	swait.ge [sflag:s29], $0x2800  }
0xd3: {  	[sflag:s29] =	ssyncset.done $0x0  }
0xd4: {  	s30 =	simm.s32 $0x6;
	[sflag:s29] =	ssyncadd.s32 $0xFFFFD800  }
0xd5: {  	_ =	swait.ge [sflag:s30], $0x2800  }
0xd6: {  	[sflag:s30] =	ssyncset.done $0x0  }
0xd7: {  	[sflag:s30] =	ssyncadd.s32 $0xFFFFD800  }
0xd8: {  	_ =	swait.ge [sflag:s24], $0x2800  }
0xd9: {  	[sflag:s24] =	ssyncset.done $0x0  }
0xda: {  	[sflag:s24] =	ssyncadd.s32 $0xFFFFD800  }
0xdb: {  	_ =	swait.ge [sflag:s25], $0x2800  }
0xdc: {  	[sflag:s25] =	ssyncset.done $0x0  }
0xdd: {  	[sflag:s25] =	ssyncadd.s32 $0xFFFFD800  }
0xde: {  	[bflag:$0x0] =	sbarrier.arrive $0xFFFF  }
0xdf: {  	s1 =	simm.s32 @!p0 $0x1C09;
	s2 =	rddreg [dreg:$0xc]  }
0xe0: {  	[hbm:s2], [sflag:s1] =	dma.local @!p0 [spmem:s18], $0x400  }
0xe1: {  	s1 =	simm.s32 @!p0 $0x9  }
0xe2: {  	_ =	swait.ge @!p0 [sflag:s1], $0x400  }
0xe3: {  	s26 =	sadd.s32 $0x1, s26;
	s31 =	rddreg [dreg:$0xd]  }
0xe4: {  	p1 =	sne.s32 s26, s31  }
.Ltmp1:
0xe5: {  	_ = 	snop;
	(pc) =	sbr.rel @p1 .LBB2_1-.Ltmp1, $3  }
0xe6: {  	_ =	sdelay $0x1  }
0xe7: {  	[sflag:s1] =	ssyncset.done @!p0 $0x0  }
0xe8: {  	[sflag:s1] =	ssyncadd.s32 @!p0 $0xFFFFFC00  }
0xe9: {  	_ =	sfence.sel $0x180000  }
0xea: {  	[bflag:$0x0] =	sbarrier.arrive $0xFFFF  }
0xeb: {  	_ =	strace $0x90000047  }
0xec: {  	[bflag:$0x2] =	sbarrier.arrive $0xFFFF  }
0xed: {  	s0 =	rddreg [dreg:$0x5]  }
0xee: {  	s0 =	sadd.s32 @!p0 $0x100000, s0  }
0xef: {  	[sflag:s0] =	ssyncadd.tile.s32 @!p0 $0x1;
	_ =	shalt  }
.Lfunc_end2:
_tile_overlayer_lowered:
.L_overlay_start_2:
0xf0: {  	(tag) =	ssettag $0x2  }
0xf1: {  	s0 =	rddreg [dreg:$0x0];
	s2 =	stileid.u32  }
0xf2: {  	s1 =	rddreg [dreg:$0x1];
	p0 =	sne.s32 s2, $0x0  }
0xf3: {  	s3 =	rddreg [dreg:$0x2];
	[bflag:$0x3] =	sbarrier.arrive $0xFFFF;
	s2 =	simm.s32 @!p0 $0x1C09  }
0xf4: {  	[timem:s3], [sflag:s2] =	dma.local @!p0 [hbm:s0], s1  }
0xf5: {  	s0 =	simm.s32 @!p0 $0x9  }
0xf6: {  	_ =	swait.ge @!p0 [sflag:s0], s1  }
0xf7: {  	s1 =	ssub.s32 @!p0 $0x0, s1;
	[sflag:s0] =	ssyncset.done @!p0 $0x0  }
0xf8: {  	[sflag:s0] =	ssyncadd.s32 @!p0 s1  }
0xf9: {  	[bflag:$0x3] =	sbarrier.arrive $0xFFFF  }
0xfa: {  	_ =	shalt  }

</sc_bundles>
